<compile_context>
chip_gen: v7x
topology: tpu7x:2x2x1
jax: 0.10.2.dev20260603
libtpu: 0.0.44.dev20260713+nightly
codegen_flags: <defaults>
</compile_context>

<pallas_src>
import functools

import jax
import jax.numpy as jnp
from jax import lax
from jax.experimental import pallas as pl
from jax.experimental.pallas import tpu as pltpu
from jax.experimental.pallas import tpu_sc as plsc

_LANES = 128


def _make_gather(num_rows: int, num_ids_rows: int, num_ids_cols: int, dim: int):
    info = plsc.get_sparse_core_info()
    nc, ns = info.num_cores, info.num_subcores
    nw = nc * ns
    batch = num_ids_rows * num_ids_cols
    b_per_w = batch // nw
    per_row = num_ids_cols // b_per_w
    mesh = plsc.VectorSubcoreMesh(core_axis_name="c", subcore_axis_name="s")

    chunk = 128
    n_chunks = b_per_w // chunk

    @functools.partial(
        pl.kernel,
        mesh=mesh,
        out_type=jax.ShapeDtypeStruct((num_ids_rows, num_ids_cols, dim), jnp.float32),
        scratch_types=[
            pltpu.VMEM((b_per_w,), jnp.int32),
            pltpu.VMEM((2, chunk, _LANES), jnp.float32),
            pltpu.VMEM((2, chunk, dim), jnp.float32),
            [pltpu.SemaphoreType.DMA] * 2,
            [pltpu.SemaphoreType.DMA] * 2,
        ],
    )
    def gather_kernel(table_hbm, idx_hbm, out_hbm, idx_v, rows_w, rows_c, gsem, ssem):
        wid = lax.axis_index("s") * nc + lax.axis_index("c")
        r = wid // per_row
        col = (wid % per_row) * b_per_w
        pltpu.sync_copy(idx_hbm.at[r, pl.ds(col, b_per_w)], idx_v)

        def start_gather(c):
            pltpu.async_copy(
                table_hbm.at[idx_v.at[pl.ds(c * chunk, chunk)]],
                rows_w.at[c % 2],
                gsem[c % 2],
            )

        def wait_gather(c):
            pltpu.make_async_copy(
                table_hbm.at[idx_v.at[pl.ds(c * chunk, chunk)]],
                rows_w.at[c % 2],
                gsem[c % 2],
            ).wait()

        def start_store(c):
            pltpu.async_copy(
                rows_c.at[c % 2],
                out_hbm.at[r, pl.ds(col + c * chunk, chunk)],
                ssem[c % 2],
            )

        def wait_store(c):
            pltpu.make_async_copy(
                rows_c.at[c % 2],
                out_hbm.at[r, pl.ds(col + c * chunk, chunk)],
                ssem[c % 2],
            ).wait()

        start_gather(0)
        for c in range(n_chunks):
            b = c % 2
            if c + 1 < n_chunks:
                start_gather(c + 1)
            wait_gather(c)
            if c >= 2:
                wait_store(c - 2)

            def compact_row(i, carry):
                for j in range(dim // 16):
                    rows_c[b, i, pl.ds(j * 16, 16)] = rows_w[b, i, pl.ds(j * 16, 16)]
                return carry

            lax.fori_loop(0, chunk, compact_row, 0)
            start_store(c)
        for c in range(n_chunks - 2, n_chunks):
            wait_store(c)

    return gather_kernel


def kernel(embed_id, weight):
    num_rows, dim = weight.shape
    ir, ic = embed_id.shape
    wpad = jnp.pad(weight, ((0, 0), (0, _LANES - dim)))
    out = _make_gather(num_rows, ir, ic, dim)(wpad, embed_id.astype(jnp.int32))
    return out

# --- scband reference (transcript-rebuilt; emitter-appended) ---
"""Pipeline reference for scband-embedding-ema-3805341024366 (READ-ONLY COPY).

The authoritative reference and input builder live on the scoring server;
editing this copy changes nothing except your own understanding.
"""

import jax, jax.numpy as jnp
import numpy as np

CODEBOOK_SIZE = 8192
CODEBOOK_DIM = 64

def setup_inputs(seed: int = 0) -> dict:
    key = jax.random.key(seed)
    k1, k2 = jax.random.split(key)
    embed_id = jax.random.randint(k1, (16, 1024), 0, CODEBOOK_SIZE, dtype=jnp.int64 if jax.config.jax_enable_x64 else jnp.int32)
    weight = jax.random.normal(k2, (CODEBOOK_SIZE, CODEBOOK_DIM), dtype=jnp.float32) / CODEBOOK_SIZE
    return {"embed_id": embed_id, "weight": weight}

def reference(embed_id, weight):
    # F.embedding(embed_id, self.weight)
    return jnp.take(weight, embed_id, axis=0)

if __name__ == "__main__":
    import jax
    _d = setup_inputs()
    print(jax.jit(kernel)(*tuple(_d.values())))

</pallas_src>

<mosaic_0001>
#map = affine_map<(d0, d1) -> (0, 0)>
#map1 = affine_map<(d0, d1) -> (0, 0, 0)>
module attributes {stable_mosaic.version = 14 : i64} {
  func.func @gather_kernel(%arg0: i32, %arg1: i32, %arg2: memref<8192x128xf32, #tpu.memory_space<hbm>>, %arg3: memref<16x1024xi32, #tpu.memory_space<hbm>>, %arg4: memref<16x1024x64xf32, #tpu.memory_space<hbm>>, %arg5: memref<512xi32, #tpu.memory_space<vmem>>, %arg6: memref<2x128x128xf32, #tpu.memory_space<vmem>>, %arg7: memref<2x128x64xf32, #tpu.memory_space<vmem>>, %arg8: memref<!tpu.dma_semaphore, #tpu.memory_space<semaphore_mem>>, %arg9: memref<!tpu.dma_semaphore, #tpu.memory_space<semaphore_mem>>, %arg10: memref<!tpu.dma_semaphore, #tpu.memory_space<semaphore_mem>>, %arg11: memref<!tpu.dma_semaphore, #tpu.memory_space<semaphore_mem>>) attributes {dimension_semantics = [#tpu.dimension_semantics<core_parallel>, #tpu.dimension_semantics<subcore_parallel>], iteration_bounds = array<i64: 2, 16>, scalar_prefetch = 0 : i64, scratch_operands = 7 : i64, tpu.core_type = #tpu.core_type<sc_vector_subcore>, window_params = [{transform_indices = #map}, {transform_indices = #map}, {transform_indices = #map1}]} {
    %mul3A = arith.constant 2 : i32
    %mul3A_0 = arith.muli %arg1, %mul3A : i32
    %add3A = arith.addi %mul3A_0, %arg0 : i32
    %jit3A = arith.constant 2 : i32
    %div3A = arith.divsi %add3A, %jit3A : i32
    %sign3A = arith.constant 0 : i32
    %sign3A_1 = arith.cmpi sgt, %add3A, %sign3A : i32
    %sign3A_2 = arith.extui %sign3A_1 : i1 to i32
    %sign3A_3 = arith.constant 0 : i32
    %sign3A_4 = arith.cmpi slt, %add3A, %sign3A_3 : i32
    %sign3A_5 = arith.extui %sign3A_4 : i1 to i32
    %sign3A_6 = arith.subi %sign3A_2, %sign3A_5 : i32
    %sign3A_7 = arith.constant 0 : i32
    %sign3A_8 = arith.cmpi sgt, %jit3A, %sign3A_7 : i32
    %sign3A_9 = arith.extui %sign3A_8 : i1 to i32
    %sign3A_10 = arith.constant 0 : i32
    %sign3A_11 = arith.cmpi slt, %jit3A, %sign3A_10 : i32
    %sign3A_12 = arith.extui %sign3A_11 : i1 to i32
    %sign3A_13 = arith.subi %sign3A_9, %sign3A_12 : i32
    %ne3A = arith.cmpi ne, %sign3A_6, %sign3A_13 : i32
    %rem3A = arith.remsi %add3A, %jit3A : i32
    %ne3A_14 = arith.constant 0 : i32
    %ne3A_15 = arith.cmpi ne, %rem3A, %ne3A_14 : i32
    %and3A = arith.andi %ne3A, %ne3A_15 : i1
    %sub3A = arith.constant 1 : i32
    %sub3A_16 = arith.subi %div3A, %sub3A : i32
    %select_n3A = arith.select %and3A, %sub3A_16, %div3A : i32
    %jit3A_17 = arith.constant 2 : i32
    %eq3A = arith.constant 0 : i32
    %eq3A_18 = arith.cmpi eq, %jit3A_17, %eq3A : i32
    %jit3A_19 = arith.constant 1 : i32
    %select_n3A_20 = arith.select %eq3A_18, %jit3A_19, %jit3A_17 : i32
    %rem3A_21 = arith.remsi %add3A, %select_n3A_20 : i32
    %ne3A_22 = arith.constant 0 : i32
    %ne3A_23 = arith.cmpi ne, %rem3A_21, %ne3A_22 : i32
    %lt3A = arith.constant 0 : i32
    %lt3A_24 = arith.cmpi slt, %rem3A_21, %lt3A : i32
    %lt3A_25 = arith.constant 0 : i32
    %lt3A_26 = arith.cmpi slt, %select_n3A_20, %lt3A_25 : i32
    %ne3A_27 = arith.xori %lt3A_24, %lt3A_26 : i1
    %and3A_28 = arith.andi %ne3A_27, %ne3A_23 : i1
    %add3A_29 = arith.addi %rem3A_21, %select_n3A_20 : i32
    %select_n3A_30 = arith.select %and3A_28, %add3A_29, %rem3A_21 : i32
    %mul3A_31 = arith.constant 512 : i32
    %mul3A_32 = arith.muli %select_n3A_30, %mul3A_31 : i32
    "tpu.region"() ({
      %run_scoped3A = tpu.sem_alloc : memref<!tpu.dma_semaphore, #tpu.memory_space<semaphore_mem>>
      %dma_start3A_270 = tpu.memref_slice %arg3[%select_n3A, %mul3A_32] : memref<16x1024xi32, #tpu.memory_space<hbm>> -> memref<1x512xi32, #tpu.memory_space<hbm>>
      %dma_start3A_271 = tpu.memref_squeeze %dma_start3A_270 : memref<1x512xi32, #tpu.memory_space<hbm>> -> memref<512xi32, #tpu.memory_space<hbm>>
      %dma_start3A_272 = tpu.memref_slice %arg3[%select_n3A, %mul3A_32] : memref<16x1024xi32, #tpu.memory_space<hbm>> -> memref<1x512xi32, #tpu.memory_space<hbm>>
      %dma_start3A_273 = tpu.memref_squeeze %dma_start3A_272 : memref<1x512xi32, #tpu.memory_space<hbm>> -> memref<512xi32, #tpu.memory_space<hbm>>
      tpu.enqueue_dma source(%dma_start3A_273 : memref<512xi32, #tpu.memory_space<hbm>>) target(%arg5 : memref<512xi32, #tpu.memory_space<vmem>>) target_semaphore(%run_scoped3A : memref<!tpu.dma_semaphore, #tpu.memory_space<semaphore_mem>>)
      %dma_wait3A_274 = tpu.memref_slice %arg3[%select_n3A, %mul3A_32] : memref<16x1024xi32, #tpu.memory_space<hbm>> -> memref<1x512xi32, #tpu.memory_space<hbm>>
      %dma_wait3A_275 = tpu.memref_squeeze %dma_wait3A_274 : memref<1x512xi32, #tpu.memory_space<hbm>> -> memref<512xi32, #tpu.memory_space<hbm>>
      %dma_wait3A_276 = tpu.memref_slice %arg3[%select_n3A, %mul3A_32] : memref<16x1024xi32, #tpu.memory_space<hbm>> -> memref<1x512xi32, #tpu.memory_space<hbm>>
      %dma_wait3A_277 = tpu.memref_squeeze %dma_wait3A_276 : memref<1x512xi32, #tpu.memory_space<hbm>> -> memref<512xi32, #tpu.memory_space<hbm>>
      tpu.wait_dma2 semaphore(%run_scoped3A : memref<!tpu.dma_semaphore, #tpu.memory_space<semaphore_mem>>) src(%dma_wait3A_277 : memref<512xi32, #tpu.memory_space<hbm>>) dst(%arg5 : memref<512xi32, #tpu.memory_space<vmem>>)
      tpu.yield
    }) : () -> ()
    %dma_start3A = arith.constant 0 : i32
    %dma_start3A_33 = arith.constant 0 : i32
    %dma_start3A_34 = arith.constant 0 : i32
    %dma_start3A_35 = tpu.memref_slice %arg6[%dma_start3A, %dma_start3A_33, %dma_start3A_34] : memref<2x128x128xf32, #tpu.memory_space<vmem>> -> memref<1x128x128xf32, #tpu.memory_space<vmem>>
    %dma_start3A_36 = tpu.memref_squeeze %dma_start3A_35 : memref<1x128x128xf32, #tpu.memory_space<vmem>> -> memref<128x128xf32, #tpu.memory_space<vmem>>
    %dma_start3A_37 = arith.constant 0 : i32
    %dma_start3A_38 = tpu.memref_slice %arg5[%dma_start3A_37] : memref<512xi32, #tpu.memory_space<vmem>> -> memref<128xi32, #tpu.memory_space<vmem>>
    %dma_start3A_39 = arith.constant 0 : i32
    %dma_start3A_40 = arith.constant 0 : i32
    %dma_start3A_41 = tpu.memref_slice %arg2[%dma_start3A_39, %dma_start3A_40] : memref<8192x128xf32, #tpu.memory_space<hbm>> -> memref<8192x128xf32, #tpu.memory_space<hbm>>
    tpu.enqueue_indirect_dma source(%dma_start3A_41 : memref<8192x128xf32, #tpu.memory_space<hbm>>) target(%dma_start3A_36 : memref<128x128xf32, #tpu.memory_space<vmem>>) offsets(%dma_start3A_38 : memref<128xi32, #tpu.memory_space<vmem>>) semaphore(%arg8 : memref<!tpu.dma_semaphore, #tpu.memory_space<semaphore_mem>>)
    %dma_start3A_42 = arith.constant 1 : i32
    %dma_start3A_43 = arith.constant 0 : i32
    %dma_start3A_44 = arith.constant 0 : i32
    %dma_start3A_45 = tpu.memref_slice %arg6[%dma_start3A_42, %dma_start3A_43, %dma_start3A_44] : memref<2x128x128xf32, #tpu.memory_space<vmem>> -> memref<1x128x128xf32, #tpu.memory_space<vmem>>
    %dma_start3A_46 = tpu.memref_squeeze %dma_start3A_45 : memref<1x128x128xf32, #tpu.memory_space<vmem>> -> memref<128x128xf32, #tpu.memory_space<vmem>>
    %dma_start3A_47 = arith.constant 128 : i32
    %dma_start3A_48 = tpu.memref_slice %arg5[%dma_start3A_47] : memref<512xi32, #tpu.memory_space<vmem>> -> memref<128xi32, #tpu.memory_space<vmem>>
    %dma_start3A_49 = arith.constant 0 : i32
    %dma_start3A_50 = arith.constant 0 : i32
    %dma_start3A_51 = tpu.memref_slice %arg2[%dma_start3A_49, %dma_start3A_50] : memref<8192x128xf32, #tpu.memory_space<hbm>> -> memref<8192x128xf32, #tpu.memory_space<hbm>>
    tpu.enqueue_indirect_dma source(%dma_start3A_51 : memref<8192x128xf32, #tpu.memory_space<hbm>>) target(%dma_start3A_46 : memref<128x128xf32, #tpu.memory_space<vmem>>) offsets(%dma_start3A_48 : memref<128xi32, #tpu.memory_space<vmem>>) semaphore(%arg9 : memref<!tpu.dma_semaphore, #tpu.memory_space<semaphore_mem>>)
    %dma_wait3A = arith.constant 0 : i32
    %dma_wait3A_52 = arith.constant 0 : i32
    %dma_wait3A_53 = arith.constant 0 : i32
    %dma_wait3A_54 = tpu.memref_slice %arg6[%dma_wait3A, %dma_wait3A_52, %dma_wait3A_53] : memref<2x128x128xf32, #tpu.memory_space<vmem>> -> memref<1x128x128xf32, #tpu.memory_space<vmem>>
    %dma_wait3A_55 = tpu.memref_squeeze %dma_wait3A_54 : memref<1x128x128xf32, #tpu.memory_space<vmem>> -> memref<128x128xf32, #tpu.memory_space<vmem>>
    %dma_wait3A_56 = arith.constant 0 : i32
    %dma_wait3A_57 = tpu.memref_slice %arg5[%dma_wait3A_56] : memref<512xi32, #tpu.memory_space<vmem>> -> memref<128xi32, #tpu.memory_space<vmem>>
    %dma_wait3A_58 = arith.constant 0 : i32
    %dma_wait3A_59 = arith.constant 0 : i32
    %dma_wait3A_60 = tpu.memref_slice %arg2[%dma_wait3A_58, %dma_wait3A_59] : memref<8192x128xf32, #tpu.memory_space<hbm>> -> memref<8192x128xf32, #tpu.memory_space<hbm>>
    tpu.wait_indirect_dma semaphore(%arg8 : memref<!tpu.dma_semaphore, #tpu.memory_space<semaphore_mem>>) src(%dma_wait3A_60 : memref<8192x128xf32, #tpu.memory_space<hbm>>) dst(%dma_wait3A_55 : memref<128x128xf32, #tpu.memory_space<vmem>>)
    %scan3A = arith.constant 0 : i32
    %scan3A_61 = arith.constant 0 : i32
    %scan3A_62 = arith.constant 128 : i32
    %scan3A_63 = arith.addi %scan3A_61, %scan3A_62 : i32
    %scan3A_64 = arith.constant 1 : i32
    scf.for %scan3A_270 = %scan3A_61 to %scan3A_63 step %scan3A_64  : i32 {
      %get3A = arith.constant 0 : i32
      %get3A_271 = arith.index_cast %get3A : i32 to index
      %get3A_272 = arith.index_cast %scan3A_270 : i32 to index
      %get3A_273 = arith.constant 0 : index
      %get3A_274 = tpu.vector_load %arg6[%get3A_271, %get3A_272, %get3A_273] {strides = array<i32>} : memref<2x128x128xf32, #tpu.memory_space<vmem>>, vector<1x1x16xf32>,
      %get3A_275 = vector.shape_cast %get3A_274 : vector<1x1x16xf32> to vector<16xf32>
      %swap3A = arith.constant 0 : i32
      %swap3A_276 = arith.index_cast %swap3A : i32 to index
      %swap3A_277 = arith.index_cast %scan3A_270 : i32 to index
      %swap3A_278 = arith.constant 0 : index
      %swap3A_279 = tpu.vector_load %arg7[%swap3A_276, %swap3A_277, %swap3A_278] {strides = array<i32>} : memref<2x128x64xf32, #tpu.memory_space<vmem>>, vector<1x1x16xf32>,
      %swap3A_280 = vector.shape_cast %swap3A_279 : vector<1x1x16xf32> to vector<16xf32>
      %swap3A_281 = vector.shape_cast %get3A_275 : vector<16xf32> to vector<1x1x16xf32>
      tpu.vector_store %arg7[%swap3A_276, %swap3A_277, %swap3A_278], %swap3A_281 {strides = array<i32>} : memref<2x128x64xf32, #tpu.memory_space<vmem>>, vector<1x1x16xf32>,
      %get3A_282 = arith.constant 0 : i32
      %get3A_283 = arith.index_cast %get3A_282 : i32 to index
      %get3A_284 = arith.index_cast %scan3A_270 : i32 to index
      %get3A_285 = arith.constant 16 : index
      %get3A_286 = tpu.vector_load %arg6[%get3A_283, %get3A_284, %get3A_285] {strides = array<i32>} : memref<2x128x128xf32, #tpu.memory_space<vmem>>, vector<1x1x16xf32>,
      %get3A_287 = vector.shape_cast %get3A_286 : vector<1x1x16xf32> to vector<16xf32>
      %swap3A_288 = arith.constant 0 : i32
      %swap3A_289 = arith.index_cast %swap3A_288 : i32 to index
      %swap3A_290 = arith.index_cast %scan3A_270 : i32 to index
      %swap3A_291 = arith.constant 16 : index
      %swap3A_292 = tpu.vector_load %arg7[%swap3A_289, %swap3A_290, %swap3A_291] {strides = array<i32>} : memref<2x128x64xf32, #tpu.memory_space<vmem>>, vector<1x1x16xf32>,
      %swap3A_293 = vector.shape_cast %swap3A_292 : vector<1x1x16xf32> to vector<16xf32>
      %swap3A_294 = vector.shape_cast %get3A_287 : vector<16xf32> to vector<1x1x16xf32>
      tpu.vector_store %arg7[%swap3A_289, %swap3A_290, %swap3A_291], %swap3A_294 {strides = array<i32>} : memref<2x128x64xf32, #tpu.memory_space<vmem>>, vector<1x1x16xf32>,
      %get3A_295 = arith.constant 0 : i32
      %get3A_296 = arith.index_cast %get3A_295 : i32 to index
      %get3A_297 = arith.index_cast %scan3A_270 : i32 to index
      %get3A_298 = arith.constant 32 : index
      %get3A_299 = tpu.vector_load %arg6[%get3A_296, %get3A_297, %get3A_298] {strides = array<i32>} : memref<2x128x128xf32, #tpu.memory_space<vmem>>, vector<1x1x16xf32>,
      %get3A_300 = vector.shape_cast %get3A_299 : vector<1x1x16xf32> to vector<16xf32>
      %swap3A_301 = arith.constant 0 : i32
      %swap3A_302 = arith.index_cast %swap3A_301 : i32 to index
      %swap3A_303 = arith.index_cast %scan3A_270 : i32 to index
      %swap3A_304 = arith.constant 32 : index
      %swap3A_305 = tpu.vector_load %arg7[%swap3A_302, %swap3A_303, %swap3A_304] {strides = array<i32>} : memref<2x128x64xf32, #tpu.memory_space<vmem>>, vector<1x1x16xf32>,
      %swap3A_306 = vector.shape_cast %swap3A_305 : vector<1x1x16xf32> to vector<16xf32>
      %swap3A_307 = vector.shape_cast %get3A_300 : vector<16xf32> to vector<1x1x16xf32>
      tpu.vector_store %arg7[%swap3A_302, %swap3A_303, %swap3A_304], %swap3A_307 {strides = array<i32>} : memref<2x128x64xf32, #tpu.memory_space<vmem>>, vector<1x1x16xf32>,
      %get3A_308 = arith.constant 0 : i32
      %get3A_309 = arith.index_cast %get3A_308 : i32 to index
      %get3A_310 = arith.index_cast %scan3A_270 : i32 to index
      %get3A_311 = arith.constant 48 : index
      %get3A_312 = tpu.vector_load %arg6[%get3A_309, %get3A_310, %get3A_311] {strides = array<i32>} : memref<2x128x128xf32, #tpu.memory_space<vmem>>, vector<1x1x16xf32>,
      %get3A_313 = vector.shape_cast %get3A_312 : vector<1x1x16xf32> to vector<16xf32>
      %swap3A_314 = arith.constant 0 : i32
      %swap3A_315 = arith.index_cast %swap3A_314 : i32 to index
      %swap3A_316 = arith.index_cast %scan3A_270 : i32 to index
      %swap3A_317 = arith.constant 48 : index
      %swap3A_318 = tpu.vector_load %arg7[%swap3A_315, %swap3A_316, %swap3A_317] {strides = array<i32>} : memref<2x128x64xf32, #tpu.memory_space<vmem>>, vector<1x1x16xf32>,
      %swap3A_319 = vector.shape_cast %swap3A_318 : vector<1x1x16xf32> to vector<16xf32>
      %swap3A_320 = vector.shape_cast %get3A_313 : vector<16xf32> to vector<1x1x16xf32>
      tpu.vector_store %arg7[%swap3A_315, %swap3A_316, %swap3A_317], %swap3A_320 {strides = array<i32>} : memref<2x128x64xf32, #tpu.memory_space<vmem>>, vector<1x1x16xf32>,
    }
    %scan3A_65 = arith.constant 128 : i32
    %add3A_66 = arith.constant 0 : i32
    %add3A_67 = arith.addi %mul3A_32, %add3A_66 : i32
    %dma_start3A_68 = arith.constant 0 : i32
    %dma_start3A_69 = arith.constant 0 : i32
    %dma_start3A_70 = arith.constant 0 : i32
    %dma_start3A_71 = tpu.memref_slice %arg7[%dma_start3A_68, %dma_start3A_69, %dma_start3A_70] : memref<2x128x64xf32, #tpu.memory_space<vmem>> -> memref<1x128x64xf32, #tpu.memory_space<vmem>>
    %dma_start3A_72 = tpu.memref_squeeze %dma_start3A_71 : memref<1x128x64xf32, #tpu.memory_space<vmem>> -> memref<128x64xf32, #tpu.memory_space<vmem>>
    %dma_start3A_73 = arith.constant 0 : i32
    %dma_start3A_74 = tpu.memref_slice %arg4[%select_n3A, %add3A_67, %dma_start3A_73] : memref<16x1024x64xf32, #tpu.memory_space<hbm>> -> memref<1x128x64xf32, #tpu.memory_space<hbm>>
    %dma_start3A_75 = tpu.memref_squeeze %dma_start3A_74 : memref<1x128x64xf32, #tpu.memory_space<hbm>> -> memref<128x64xf32, #tpu.memory_space<hbm>>
    %dma_start3A_76 = arith.constant 0 : i32
    %dma_start3A_77 = tpu.memref_slice %arg4[%select_n3A, %add3A_67, %dma_start3A_76] : memref<16x1024x64xf32, #tpu.memory_space<hbm>> -> memref<1x128x64xf32, #tpu.memory_space<hbm>>
    %dma_start3A_78 = tpu.memref_squeeze %dma_start3A_77 : memref<1x128x64xf32, #tpu.memory_space<hbm>> -> memref<128x64xf32, #tpu.memory_space<hbm>>
    %dma_start3A_79 = arith.constant 0 : i32
    %dma_start3A_80 = arith.constant 0 : i32
    %dma_start3A_81 = tpu.memref_slice %arg7[%dma_start3A_68, %dma_start3A_79, %dma_start3A_80] : memref<2x128x64xf32, #tpu.memory_space<vmem>> -> memref<1x128x64xf32, #tpu.memory_space<vmem>>
    %dma_start3A_82 = tpu.memref_squeeze %dma_start3A_81 : memref<1x128x64xf32, #tpu.memory_space<vmem>> -> memref<128x64xf32, #tpu.memory_space<vmem>>
    tpu.enqueue_dma source(%dma_start3A_82 : memref<128x64xf32, #tpu.memory_space<vmem>>) target(%dma_start3A_78 : memref<128x64xf32, #tpu.memory_space<hbm>>) target_semaphore(%arg10 : memref<!tpu.dma_semaphore, #tpu.memory_space<semaphore_mem>>)
    %dma_start3A_83 = arith.constant 0 : i32
    %dma_start3A_84 = arith.constant 0 : i32
    %dma_start3A_85 = arith.constant 0 : i32
    %dma_start3A_86 = tpu.memref_slice %arg6[%dma_start3A_83, %dma_start3A_84, %dma_start3A_85] : memref<2x128x128xf32, #tpu.memory_space<vmem>> -> memref<1x128x128xf32, #tpu.memory_space<vmem>>
    %dma_start3A_87 = tpu.memref_squeeze %dma_start3A_86 : memref<1x128x128xf32, #tpu.memory_space<vmem>> -> memref<128x128xf32, #tpu.memory_space<vmem>>
    %dma_start3A_88 = arith.constant 256 : i32
    %dma_start3A_89 = tpu.memref_slice %arg5[%dma_start3A_88] : memref<512xi32, #tpu.memory_space<vmem>> -> memref<128xi32, #tpu.memory_space<vmem>>
    %dma_start3A_90 = arith.constant 0 : i32
    %dma_start3A_91 = arith.constant 0 : i32
    %dma_start3A_92 = tpu.memref_slice %arg2[%dma_start3A_90, %dma_start3A_91] : memref<8192x128xf32, #tpu.memory_space<hbm>> -> memref<8192x128xf32, #tpu.memory_space<hbm>>
    tpu.enqueue_indirect_dma source(%dma_start3A_92 : memref<8192x128xf32, #tpu.memory_space<hbm>>) target(%dma_start3A_87 : memref<128x128xf32, #tpu.memory_space<vmem>>) offsets(%dma_start3A_89 : memref<128xi32, #tpu.memory_space<vmem>>) semaphore(%arg8 : memref<!tpu.dma_semaphore, #tpu.memory_space<semaphore_mem>>)
    %dma_wait3A_93 = arith.constant 1 : i32
    %dma_wait3A_94 = arith.constant 0 : i32
    %dma_wait3A_95 = arith.constant 0 : i32
    %dma_wait3A_96 = tpu.memref_slice %arg6[%dma_wait3A_93, %dma_wait3A_94, %dma_wait3A_95] : memref<2x128x128xf32, #tpu.memory_space<vmem>> -> memref<1x128x128xf32, #tpu.memory_space<vmem>>
    %dma_wait3A_97 = tpu.memref_squeeze %dma_wait3A_96 : memref<1x128x128xf32, #tpu.memory_space<vmem>> -> memref<128x128xf32, #tpu.memory_space<vmem>>
    %dma_wait3A_98 = arith.constant 128 : i32
    %dma_wait3A_99 = tpu.memref_slice %arg5[%dma_wait3A_98] : memref<512xi32, #tpu.memory_space<vmem>> -> memref<128xi32, #tpu.memory_space<vmem>>
    %dma_wait3A_100 = arith.constant 0 : i32
    %dma_wait3A_101 = arith.constant 0 : i32
    %dma_wait3A_102 = tpu.memref_slice %arg2[%dma_wait3A_100, %dma_wait3A_101] : memref<8192x128xf32, #tpu.memory_space<hbm>> -> memref<8192x128xf32, #tpu.memory_space<hbm>>
    tpu.wait_indirect_dma semaphore(%arg9 : memref<!tpu.dma_semaphore, #tpu.memory_space<semaphore_mem>>) src(%dma_wait3A_102 : memref<8192x128xf32, #tpu.memory_space<hbm>>) dst(%dma_wait3A_97 : memref<128x128xf32, #tpu.memory_space<vmem>>)
    %scan3A_103 = arith.constant 0 : i32
    %scan3A_104 = arith.constant 0 : i32
    %scan3A_105 = arith.constant 128 : i32
    %scan3A_106 = arith.addi %scan3A_104, %scan3A_105 : i32
    %scan3A_107 = arith.constant 1 : i32
    scf.for %scan3A_270 = %scan3A_104 to %scan3A_106 step %scan3A_107  : i32 {
      %get3A = arith.constant 1 : i32
      %get3A_271 = arith.index_cast %get3A : i32 to index
      %get3A_272 = arith.index_cast %scan3A_270 : i32 to index
      %get3A_273 = arith.constant 0 : index
      %get3A_274 = tpu.vector_load %arg6[%get3A_271, %get3A_272, %get3A_273] {strides = array<i32>} : memref<2x128x128xf32, #tpu.memory_space<vmem>>, vector<1x1x16xf32>,
      %get3A_275 = vector.shape_cast %get3A_274 : vector<1x1x16xf32> to vector<16xf32>
      %swap3A = arith.constant 1 : i32
      %swap3A_276 = arith.index_cast %swap3A : i32 to index
      %swap3A_277 = arith.index_cast %scan3A_270 : i32 to index
      %swap3A_278 = arith.constant 0 : index
      %swap3A_279 = tpu.vector_load %arg7[%swap3A_276, %swap3A_277, %swap3A_278] {strides = array<i32>} : memref<2x128x64xf32, #tpu.memory_space<vmem>>, vector<1x1x16xf32>,
      %swap3A_280 = vector.shape_cast %swap3A_279 : vector<1x1x16xf32> to vector<16xf32>
      %swap3A_281 = vector.shape_cast %get3A_275 : vector<16xf32> to vector<1x1x16xf32>
      tpu.vector_store %arg7[%swap3A_276, %swap3A_277, %swap3A_278], %swap3A_281 {strides = array<i32>} : memref<2x128x64xf32, #tpu.memory_space<vmem>>, vector<1x1x16xf32>,
      %get3A_282 = arith.constant 1 : i32
      %get3A_283 = arith.index_cast %get3A_282 : i32 to index
      %get3A_284 = arith.index_cast %scan3A_270 : i32 to index
      %get3A_285 = arith.constant 16 : index
      %get3A_286 = tpu.vector_load %arg6[%get3A_283, %get3A_284, %get3A_285] {strides = array<i32>} : memref<2x128x128xf32, #tpu.memory_space<vmem>>, vector<1x1x16xf32>,
      %get3A_287 = vector.shape_cast %get3A_286 : vector<1x1x16xf32> to vector<16xf32>
      %swap3A_288 = arith.constant 1 : i32
      %swap3A_289 = arith.index_cast %swap3A_288 : i32 to index
      %swap3A_290 = arith.index_cast %scan3A_270 : i32 to index
      %swap3A_291 = arith.constant 16 : index
      %swap3A_292 = tpu.vector_load %arg7[%swap3A_289, %swap3A_290, %swap3A_291] {strides = array<i32>} : memref<2x128x64xf32, #tpu.memory_space<vmem>>, vector<1x1x16xf32>,
      %swap3A_293 = vector.shape_cast %swap3A_292 : vector<1x1x16xf32> to vector<16xf32>
      %swap3A_294 = vector.shape_cast %get3A_287 : vector<16xf32> to vector<1x1x16xf32>
      tpu.vector_store %arg7[%swap3A_289, %swap3A_290, %swap3A_291], %swap3A_294 {strides = array<i32>} : memref<2x128x64xf32, #tpu.memory_space<vmem>>, vector<1x1x16xf32>,
      %get3A_295 = arith.constant 1 : i32
      %get3A_296 = arith.index_cast %get3A_295 : i32 to index
      %get3A_297 = arith.index_cast %scan3A_270 : i32 to index
      %get3A_298 = arith.constant 32 : index
      %get3A_299 = tpu.vector_load %arg6[%get3A_296, %get3A_297, %get3A_298] {strides = array<i32>} : memref<2x128x128xf32, #tpu.memory_space<vmem>>, vector<1x1x16xf32>,
      %get3A_300 = vector.shape_cast %get3A_299 : vector<1x1x16xf32> to vector<16xf32>
      %swap3A_301 = arith.constant 1 : i32
      %swap3A_302 = arith.index_cast %swap3A_301 : i32 to index
      %swap3A_303 = arith.index_cast %scan3A_270 : i32 to index
      %swap3A_304 = arith.constant 32 : index
      %swap3A_305 = tpu.vector_load %arg7[%swap3A_302, %swap3A_303, %swap3A_304] {strides = array<i32>} : memref<2x128x64xf32, #tpu.memory_space<vmem>>, vector<1x1x16xf32>,
      %swap3A_306 = vector.shape_cast %swap3A_305 : vector<1x1x16xf32> to vector<16xf32>
      %swap3A_307 = vector.shape_cast %get3A_300 : vector<16xf32> to vector<1x1x16xf32>
      tpu.vector_store %arg7[%swap3A_302, %swap3A_303, %swap3A_304], %swap3A_307 {strides = array<i32>} : memref<2x128x64xf32, #tpu.memory_space<vmem>>, vector<1x1x16xf32>,
      %get3A_308 = arith.constant 1 : i32
      %get3A_309 = arith.index_cast %get3A_308 : i32 to index
      %get3A_310 = arith.index_cast %scan3A_270 : i32 to index
      %get3A_311 = arith.constant 48 : index
      %get3A_312 = tpu.vector_load %arg6[%get3A_309, %get3A_310, %get3A_311] {strides = array<i32>} : memref<2x128x128xf32, #tpu.memory_space<vmem>>, vector<1x1x16xf32>,
      %get3A_313 = vector.shape_cast %get3A_312 : vector<1x1x16xf32> to vector<16xf32>
      %swap3A_314 = arith.constant 1 : i32
      %swap3A_315 = arith.index_cast %swap3A_314 : i32 to index
      %swap3A_316 = arith.index_cast %scan3A_270 : i32 to index
      %swap3A_317 = arith.constant 48 : index
      %swap3A_318 = tpu.vector_load %arg7[%swap3A_315, %swap3A_316, %swap3A_317] {strides = array<i32>} : memref<2x128x64xf32, #tpu.memory_space<vmem>>, vector<1x1x16xf32>,
      %swap3A_319 = vector.shape_cast %swap3A_318 : vector<1x1x16xf32> to vector<16xf32>
      %swap3A_320 = vector.shape_cast %get3A_313 : vector<16xf32> to vector<1x1x16xf32>
      tpu.vector_store %arg7[%swap3A_315, %swap3A_316, %swap3A_317], %swap3A_320 {strides = array<i32>} : memref<2x128x64xf32, #tpu.memory_space<vmem>>, vector<1x1x16xf32>,
    }
    %scan3A_108 = arith.constant 128 : i32
    %add3A_109 = arith.constant 128 : i32
    %add3A_110 = arith.addi %mul3A_32, %add3A_109 : i32
    %dma_start3A_111 = arith.constant 1 : i32
    %dma_start3A_112 = arith.constant 0 : i32
    %dma_start3A_113 = arith.constant 0 : i32
    %dma_start3A_114 = tpu.memref_slice %arg7[%dma_start3A_111, %dma_start3A_112, %dma_start3A_113] : memref<2x128x64xf32, #tpu.memory_space<vmem>> -> memref<1x128x64xf32, #tpu.memory_space<vmem>>
    %dma_start3A_115 = tpu.memref_squeeze %dma_start3A_114 : memref<1x128x64xf32, #tpu.memory_space<vmem>> -> memref<128x64xf32, #tpu.memory_space<vmem>>
    %dma_start3A_116 = arith.constant 0 : i32
    %dma_start3A_117 = tpu.memref_slice %arg4[%select_n3A, %add3A_110, %dma_start3A_116] : memref<16x1024x64xf32, #tpu.memory_space<hbm>> -> memref<1x128x64xf32, #tpu.memory_space<hbm>>
    %dma_start3A_118 = tpu.memref_squeeze %dma_start3A_117 : memref<1x128x64xf32, #tpu.memory_space<hbm>> -> memref<128x64xf32, #tpu.memory_space<hbm>>
    %dma_start3A_119 = arith.constant 0 : i32
    %dma_start3A_120 = tpu.memref_slice %arg4[%select_n3A, %add3A_110, %dma_start3A_119] : memref<16x1024x64xf32, #tpu.memory_space<hbm>> -> memref<1x128x64xf32, #tpu.memory_space<hbm>>
    %dma_start3A_121 = tpu.memref_squeeze %dma_start3A_120 : memref<1x128x64xf32, #tpu.memory_space<hbm>> -> memref<128x64xf32, #tpu.memory_space<hbm>>
    %dma_start3A_122 = arith.constant 0 : i32
    %dma_start3A_123 = arith.constant 0 : i32
    %dma_start3A_124 = tpu.memref_slice %arg7[%dma_start3A_111, %dma_start3A_122, %dma_start3A_123] : memref<2x128x64xf32, #tpu.memory_space<vmem>> -> memref<1x128x64xf32, #tpu.memory_space<vmem>>
    %dma_start3A_125 = tpu.memref_squeeze %dma_start3A_124 : memref<1x128x64xf32, #tpu.memory_space<vmem>> -> memref<128x64xf32, #tpu.memory_space<vmem>>
    tpu.enqueue_dma source(%dma_start3A_125 : memref<128x64xf32, #tpu.memory_space<vmem>>) target(%dma_start3A_121 : memref<128x64xf32, #tpu.memory_space<hbm>>) target_semaphore(%arg11 : memref<!tpu.dma_semaphore, #tpu.memory_space<semaphore_mem>>)
    %dma_start3A_126 = arith.constant 1 : i32
    %dma_start3A_127 = arith.constant 0 : i32
    %dma_start3A_128 = arith.constant 0 : i32
    %dma_start3A_129 = tpu.memref_slice %arg6[%dma_start3A_126, %dma_start3A_127, %dma_start3A_128] : memref<2x128x128xf32, #tpu.memory_space<vmem>> -> memref<1x128x128xf32, #tpu.memory_space<vmem>>
    %dma_start3A_130 = tpu.memref_squeeze %dma_start3A_129 : memref<1x128x128xf32, #tpu.memory_space<vmem>> -> memref<128x128xf32, #tpu.memory_space<vmem>>
    %dma_start3A_131 = arith.constant 384 : i32
    %dma_start3A_132 = tpu.memref_slice %arg5[%dma_start3A_131] : memref<512xi32, #tpu.memory_space<vmem>> -> memref<128xi32, #tpu.memory_space<vmem>>
    %dma_start3A_133 = arith.constant 0 : i32
    %dma_start3A_134 = arith.constant 0 : i32
    %dma_start3A_135 = tpu.memref_slice %arg2[%dma_start3A_133, %dma_start3A_134] : memref<8192x128xf32, #tpu.memory_space<hbm>> -> memref<8192x128xf32, #tpu.memory_space<hbm>>
    tpu.enqueue_indirect_dma source(%dma_start3A_135 : memref<8192x128xf32, #tpu.memory_space<hbm>>) target(%dma_start3A_130 : memref<128x128xf32, #tpu.memory_space<vmem>>) offsets(%dma_start3A_132 : memref<128xi32, #tpu.memory_space<vmem>>) semaphore(%arg9 : memref<!tpu.dma_semaphore, #tpu.memory_space<semaphore_mem>>)
    %dma_wait3A_136 = arith.constant 0 : i32
    %dma_wait3A_137 = arith.constant 0 : i32
    %dma_wait3A_138 = arith.constant 0 : i32
    %dma_wait3A_139 = tpu.memref_slice %arg6[%dma_wait3A_136, %dma_wait3A_137, %dma_wait3A_138] : memref<2x128x128xf32, #tpu.memory_space<vmem>> -> memref<1x128x128xf32, #tpu.memory_space<vmem>>
    %dma_wait3A_140 = tpu.memref_squeeze %dma_wait3A_139 : memref<1x128x128xf32, #tpu.memory_space<vmem>> -> memref<128x128xf32, #tpu.memory_space<vmem>>
    %dma_wait3A_141 = arith.constant 256 : i32
    %dma_wait3A_142 = tpu.memref_slice %arg5[%dma_wait3A_141] : memref<512xi32, #tpu.memory_space<vmem>> -> memref<128xi32, #tpu.memory_space<vmem>>
    %dma_wait3A_143 = arith.constant 0 : i32
    %dma_wait3A_144 = arith.constant 0 : i32
    %dma_wait3A_145 = tpu.memref_slice %arg2[%dma_wait3A_143, %dma_wait3A_144] : memref<8192x128xf32, #tpu.memory_space<hbm>> -> memref<8192x128xf32, #tpu.memory_space<hbm>>
    tpu.wait_indirect_dma semaphore(%arg8 : memref<!tpu.dma_semaphore, #tpu.memory_space<semaphore_mem>>) src(%dma_wait3A_145 : memref<8192x128xf32, #tpu.memory_space<hbm>>) dst(%dma_wait3A_140 : memref<128x128xf32, #tpu.memory_space<vmem>>)
    %add3A_146 = arith.constant 0 : i32
    %add3A_147 = arith.addi %mul3A_32, %add3A_146 : i32
    %dma_wait3A_148 = arith.constant 0 : i32
    %dma_wait3A_149 = arith.constant 0 : i32
    %dma_wait3A_150 = arith.constant 0 : i32
    %dma_wait3A_151 = tpu.memref_slice %arg7[%dma_wait3A_148, %dma_wait3A_149, %dma_wait3A_150] : memref<2x128x64xf32, #tpu.memory_space<vmem>> -> memref<1x128x64xf32, #tpu.memory_space<vmem>>
    %dma_wait3A_152 = tpu.memref_squeeze %dma_wait3A_151 : memref<1x128x64xf32, #tpu.memory_space<vmem>> -> memref<128x64xf32, #tpu.memory_space<vmem>>
    %dma_wait3A_153 = arith.constant 0 : i32
    %dma_wait3A_154 = tpu.memref_slice %arg4[%select_n3A, %add3A_147, %dma_wait3A_153] : memref<16x1024x64xf32, #tpu.memory_space<hbm>> -> memref<1x128x64xf32, #tpu.memory_space<hbm>>
    %dma_wait3A_155 = tpu.memref_squeeze %dma_wait3A_154 : memref<1x128x64xf32, #tpu.memory_space<hbm>> -> memref<128x64xf32, #tpu.memory_space<hbm>>
    %dma_wait3A_156 = arith.constant 0 : i32
    %dma_wait3A_157 = tpu.memref_slice %arg4[%select_n3A, %add3A_147, %dma_wait3A_156] : memref<16x1024x64xf32, #tpu.memory_space<hbm>> -> memref<1x128x64xf32, #tpu.memory_space<hbm>>
    %dma_wait3A_158 = tpu.memref_squeeze %dma_wait3A_157 : memref<1x128x64xf32, #tpu.memory_space<hbm>> -> memref<128x64xf32, #tpu.memory_space<hbm>>
    %dma_wait3A_159 = arith.constant 0 : i32
    %dma_wait3A_160 = arith.constant 0 : i32
    %dma_wait3A_161 = tpu.memref_slice %arg7[%dma_wait3A_148, %dma_wait3A_159, %dma_wait3A_160] : memref<2x128x64xf32, #tpu.memory_space<vmem>> -> memref<1x128x64xf32, #tpu.memory_space<vmem>>
    %dma_wait3A_162 = tpu.memref_squeeze %dma_wait3A_161 : memref<1x128x64xf32, #tpu.memory_space<vmem>> -> memref<128x64xf32, #tpu.memory_space<vmem>>
    tpu.wait_dma2 semaphore(%arg10 : memref<!tpu.dma_semaphore, #tpu.memory_space<semaphore_mem>>) src(%dma_wait3A_162 : memref<128x64xf32, #tpu.memory_space<vmem>>) dst(%dma_wait3A_158 : memref<128x64xf32, #tpu.memory_space<hbm>>)
    %scan3A_163 = arith.constant 0 : i32
    %scan3A_164 = arith.constant 0 : i32
    %scan3A_165 = arith.constant 128 : i32
    %scan3A_166 = arith.addi %scan3A_164, %scan3A_165 : i32
    %scan3A_167 = arith.constant 1 : i32
    scf.for %scan3A_270 = %scan3A_164 to %scan3A_166 step %scan3A_167  : i32 {
      %get3A = arith.constant 0 : i32
      %get3A_271 = arith.index_cast %get3A : i32 to index
      %get3A_272 = arith.index_cast %scan3A_270 : i32 to index
      %get3A_273 = arith.constant 0 : index
      %get3A_274 = tpu.vector_load %arg6[%get3A_271, %get3A_272, %get3A_273] {strides = array<i32>} : memref<2x128x128xf32, #tpu.memory_space<vmem>>, vector<1x1x16xf32>,
      %get3A_275 = vector.shape_cast %get3A_274 : vector<1x1x16xf32> to vector<16xf32>
      %swap3A = arith.constant 0 : i32
      %swap3A_276 = arith.index_cast %swap3A : i32 to index
      %swap3A_277 = arith.index_cast %scan3A_270 : i32 to index
      %swap3A_278 = arith.constant 0 : index
      %swap3A_279 = tpu.vector_load %arg7[%swap3A_276, %swap3A_277, %swap3A_278] {strides = array<i32>} : memref<2x128x64xf32, #tpu.memory_space<vmem>>, vector<1x1x16xf32>,
      %swap3A_280 = vector.shape_cast %swap3A_279 : vector<1x1x16xf32> to vector<16xf32>
      %swap3A_281 = vector.shape_cast %get3A_275 : vector<16xf32> to vector<1x1x16xf32>
      tpu.vector_store %arg7[%swap3A_276, %swap3A_277, %swap3A_278], %swap3A_281 {strides = array<i32>} : memref<2x128x64xf32, #tpu.memory_space<vmem>>, vector<1x1x16xf32>,
      %get3A_282 = arith.constant 0 : i32
      %get3A_283 = arith.index_cast %get3A_282 : i32 to index
      %get3A_284 = arith.index_cast %scan3A_270 : i32 to index
      %get3A_285 = arith.constant 16 : index
      %get3A_286 = tpu.vector_load %arg6[%get3A_283, %get3A_284, %get3A_285] {strides = array<i32>} : memref<2x128x128xf32, #tpu.memory_space<vmem>>, vector<1x1x16xf32>,
      %get3A_287 = vector.shape_cast %get3A_286 : vector<1x1x16xf32> to vector<16xf32>
      %swap3A_288 = arith.constant 0 : i32
      %swap3A_289 = arith.index_cast %swap3A_288 : i32 to index
      %swap3A_290 = arith.index_cast %scan3A_270 : i32 to index
      %swap3A_291 = arith.constant 16 : index
      %swap3A_292 = tpu.vector_load %arg7[%swap3A_289, %swap3A_290, %swap3A_291] {strides = array<i32>} : memref<2x128x64xf32, #tpu.memory_space<vmem>>, vector<1x1x16xf32>,
      %swap3A_293 = vector.shape_cast %swap3A_292 : vector<1x1x16xf32> to vector<16xf32>
      %swap3A_294 = vector.shape_cast %get3A_287 : vector<16xf32> to vector<1x1x16xf32>
      tpu.vector_store %arg7[%swap3A_289, %swap3A_290, %swap3A_291], %swap3A_294 {strides = array<i32>} : memref<2x128x64xf32, #tpu.memory_space<vmem>>, vector<1x1x16xf32>,
      %get3A_295 = arith.constant 0 : i32
      %get3A_296 = arith.index_cast %get3A_295 : i32 to index
      %get3A_297 = arith.index_cast %scan3A_270 : i32 to index
      %get3A_298 = arith.constant 32 : index
      %get3A_299 = tpu.vector_load %arg6[%get3A_296, %get3A_297, %get3A_298] {strides = array<i32>} : memref<2x128x128xf32, #tpu.memory_space<vmem>>, vector<1x1x16xf32>,
      %get3A_300 = vector.shape_cast %get3A_299 : vector<1x1x16xf32> to vector<16xf32>
      %swap3A_301 = arith.constant 0 : i32
      %swap3A_302 = arith.index_cast %swap3A_301 : i32 to index
      %swap3A_303 = arith.index_cast %scan3A_270 : i32 to index
      %swap3A_304 = arith.constant 32 : index
      %swap3A_305 = tpu.vector_load %arg7[%swap3A_302, %swap3A_303, %swap3A_304] {strides = array<i32>} : memref<2x128x64xf32, #tpu.memory_space<vmem>>, vector<1x1x16xf32>,
      %swap3A_306 = vector.shape_cast %swap3A_305 : vector<1x1x16xf32> to vector<16xf32>
      %swap3A_307 = vector.shape_cast %get3A_300 : vector<16xf32> to vector<1x1x16xf32>
      tpu.vector_store %arg7[%swap3A_302, %swap3A_303, %swap3A_304], %swap3A_307 {strides = array<i32>} : memref<2x128x64xf32, #tpu.memory_space<vmem>>, vector<1x1x16xf32>,
      %get3A_308 = arith.constant 0 : i32
      %get3A_309 = arith.index_cast %get3A_308 : i32 to index
      %get3A_310 = arith.index_cast %scan3A_270 : i32 to index
      %get3A_311 = arith.constant 48 : index
      %get3A_312 = tpu.vector_load %arg6[%get3A_309, %get3A_310, %get3A_311] {strides = array<i32>} : memref<2x128x128xf32, #tpu.memory_space<vmem>>, vector<1x1x16xf32>,
      %get3A_313 = vector.shape_cast %get3A_312 : vector<1x1x16xf32> to vector<16xf32>
      %swap3A_314 = arith.constant 0 : i32
      %swap3A_315 = arith.index_cast %swap3A_314 : i32 to index
      %swap3A_316 = arith.index_cast %scan3A_270 : i32 to index
      %swap3A_317 = arith.constant 48 : index
      %swap3A_318 = tpu.vector_load %arg7[%swap3A_315, %swap3A_316, %swap3A_317] {strides = array<i32>} : memref<2x128x64xf32, #tpu.memory_space<vmem>>, vector<1x1x16xf32>,
      %swap3A_319 = vector.shape_cast %swap3A_318 : vector<1x1x16xf32> to vector<16xf32>
      %swap3A_320 = vector.shape_cast %get3A_313 : vector<16xf32> to vector<1x1x16xf32>
      tpu.vector_store %arg7[%swap3A_315, %swap3A_316, %swap3A_317], %swap3A_320 {strides = array<i32>} : memref<2x128x64xf32, #tpu.memory_space<vmem>>, vector<1x1x16xf32>,
    }
    %scan3A_168 = arith.constant 128 : i32
    %add3A_169 = arith.constant 256 : i32
    %add3A_170 = arith.addi %mul3A_32, %add3A_169 : i32
    %dma_start3A_171 = arith.constant 0 : i32
    %dma_start3A_172 = arith.constant 0 : i32
    %dma_start3A_173 = arith.constant 0 : i32
    %dma_start3A_174 = tpu.memref_slice %arg7[%dma_start3A_171, %dma_start3A_172, %dma_start3A_173] : memref<2x128x64xf32, #tpu.memory_space<vmem>> -> memref<1x128x64xf32, #tpu.memory_space<vmem>>
    %dma_start3A_175 = tpu.memref_squeeze %dma_start3A_174 : memref<1x128x64xf32, #tpu.memory_space<vmem>> -> memref<128x64xf32, #tpu.memory_space<vmem>>
    %dma_start3A_176 = arith.constant 0 : i32
    %dma_start3A_177 = tpu.memref_slice %arg4[%select_n3A, %add3A_170, %dma_start3A_176] : memref<16x1024x64xf32, #tpu.memory_space<hbm>> -> memref<1x128x64xf32, #tpu.memory_space<hbm>>
    %dma_start3A_178 = tpu.memref_squeeze %dma_start3A_177 : memref<1x128x64xf32, #tpu.memory_space<hbm>> -> memref<128x64xf32, #tpu.memory_space<hbm>>
    %dma_start3A_179 = arith.constant 0 : i32
    %dma_start3A_180 = tpu.memref_slice %arg4[%select_n3A, %add3A_170, %dma_start3A_179] : memref<16x1024x64xf32, #tpu.memory_space<hbm>> -> memref<1x128x64xf32, #tpu.memory_space<hbm>>
    %dma_start3A_181 = tpu.memref_squeeze %dma_start3A_180 : memref<1x128x64xf32, #tpu.memory_space<hbm>> -> memref<128x64xf32, #tpu.memory_space<hbm>>
    %dma_start3A_182 = arith.constant 0 : i32
    %dma_start3A_183 = arith.constant 0 : i32
    %dma_start3A_184 = tpu.memref_slice %arg7[%dma_start3A_171, %dma_start3A_182, %dma_start3A_183] : memref<2x128x64xf32, #tpu.memory_space<vmem>> -> memref<1x128x64xf32, #tpu.memory_space<vmem>>
    %dma_start3A_185 = tpu.memref_squeeze %dma_start3A_184 : memref<1x128x64xf32, #tpu.memory_space<vmem>> -> memref<128x64xf32, #tpu.memory_space<vmem>>
    tpu.enqueue_dma source(%dma_start3A_185 : memref<128x64xf32, #tpu.memory_space<vmem>>) target(%dma_start3A_181 : memref<128x64xf32, #tpu.memory_space<hbm>>) target_semaphore(%arg10 : memref<!tpu.dma_semaphore, #tpu.memory_space<semaphore_mem>>)
    %dma_wait3A_186 = arith.constant 1 : i32
    %dma_wait3A_187 = arith.constant 0 : i32
    %dma_wait3A_188 = arith.constant 0 : i32
    %dma_wait3A_189 = tpu.memref_slice %arg6[%dma_wait3A_186, %dma_wait3A_187, %dma_wait3A_188] : memref<2x128x128xf32, #tpu.memory_space<vmem>> -> memref<1x128x128xf32, #tpu.memory_space<vmem>>
    %dma_wait3A_190 = tpu.memref_squeeze %dma_wait3A_189 : memref<1x128x128xf32, #tpu.memory_space<vmem>> -> memref<128x128xf32, #tpu.memory_space<vmem>>
    %dma_wait3A_191 = arith.constant 384 : i32
    %dma_wait3A_192 = tpu.memref_slice %arg5[%dma_wait3A_191] : memref<512xi32, #tpu.memory_space<vmem>> -> memref<128xi32, #tpu.memory_space<vmem>>
    %dma_wait3A_193 = arith.constant 0 : i32
    %dma_wait3A_194 = arith.constant 0 : i32
    %dma_wait3A_195 = tpu.memref_slice %arg2[%dma_wait3A_193, %dma_wait3A_194] : memref<8192x128xf32, #tpu.memory_space<hbm>> -> memref<8192x128xf32, #tpu.memory_space<hbm>>
    tpu.wait_indirect_dma semaphore(%arg9 : memref<!tpu.dma_semaphore, #tpu.memory_space<semaphore_mem>>) src(%dma_wait3A_195 : memref<8192x128xf32, #tpu.memory_space<hbm>>) dst(%dma_wait3A_190 : memref<128x128xf32, #tpu.memory_space<vmem>>)
    %add3A_196 = arith.constant 128 : i32
    %add3A_197 = arith.addi %mul3A_32, %add3A_196 : i32
    %dma_wait3A_198 = arith.constant 1 : i32
    %dma_wait3A_199 = arith.constant 0 : i32
    %dma_wait3A_200 = arith.constant 0 : i32
    %dma_wait3A_201 = tpu.memref_slice %arg7[%dma_wait3A_198, %dma_wait3A_199, %dma_wait3A_200] : memref<2x128x64xf32, #tpu.memory_space<vmem>> -> memref<1x128x64xf32, #tpu.memory_space<vmem>>
    %dma_wait3A_202 = tpu.memref_squeeze %dma_wait3A_201 : memref<1x128x64xf32, #tpu.memory_space<vmem>> -> memref<128x64xf32, #tpu.memory_space<vmem>>
    %dma_wait3A_203 = arith.constant 0 : i32
    %dma_wait3A_204 = tpu.memref_slice %arg4[%select_n3A, %add3A_197, %dma_wait3A_203] : memref<16x1024x64xf32, #tpu.memory_space<hbm>> -> memref<1x128x64xf32, #tpu.memory_space<hbm>>
    %dma_wait3A_205 = tpu.memref_squeeze %dma_wait3A_204 : memref<1x128x64xf32, #tpu.memory_space<hbm>> -> memref<128x64xf32, #tpu.memory_space<hbm>>
    %dma_wait3A_206 = arith.constant 0 : i32
    %dma_wait3A_207 = tpu.memref_slice %arg4[%select_n3A, %add3A_197, %dma_wait3A_206] : memref<16x1024x64xf32, #tpu.memory_space<hbm>> -> memref<1x128x64xf32, #tpu.memory_space<hbm>>
    %dma_wait3A_208 = tpu.memref_squeeze %dma_wait3A_207 : memref<1x128x64xf32, #tpu.memory_space<hbm>> -> memref<128x64xf32, #tpu.memory_space<hbm>>
    %dma_wait3A_209 = arith.constant 0 : i32
    %dma_wait3A_210 = arith.constant 0 : i32
    %dma_wait3A_211 = tpu.memref_slice %arg7[%dma_wait3A_198, %dma_wait3A_209, %dma_wait3A_210] : memref<2x128x64xf32, #tpu.memory_space<vmem>> -> memref<1x128x64xf32, #tpu.memory_space<vmem>>
    %dma_wait3A_212 = tpu.memref_squeeze %dma_wait3A_211 : memref<1x128x64xf32, #tpu.memory_space<vmem>> -> memref<128x64xf32, #tpu.memory_space<vmem>>
    tpu.wait_dma2 semaphore(%arg11 : memref<!tpu.dma_semaphore, #tpu.memory_space<semaphore_mem>>) src(%dma_wait3A_212 : memref<128x64xf32, #tpu.memory_space<vmem>>) dst(%dma_wait3A_208 : memref<128x64xf32, #tpu.memory_space<hbm>>)
    %scan3A_213 = arith.constant 0 : i32
    %scan3A_214 = arith.constant 0 : i32
    %scan3A_215 = arith.constant 128 : i32
    %scan3A_216 = arith.addi %scan3A_214, %scan3A_215 : i32
    %scan3A_217 = arith.constant 1 : i32
    scf.for %scan3A_270 = %scan3A_214 to %scan3A_216 step %scan3A_217  : i32 {
      %get3A = arith.constant 1 : i32
      %get3A_271 = arith.index_cast %get3A : i32 to index
      %get3A_272 = arith.index_cast %scan3A_270 : i32 to index
      %get3A_273 = arith.constant 0 : index
      %get3A_274 = tpu.vector_load %arg6[%get3A_271, %get3A_272, %get3A_273] {strides = array<i32>} : memref<2x128x128xf32, #tpu.memory_space<vmem>>, vector<1x1x16xf32>,
      %get3A_275 = vector.shape_cast %get3A_274 : vector<1x1x16xf32> to vector<16xf32>
      %swap3A = arith.constant 1 : i32
      %swap3A_276 = arith.index_cast %swap3A : i32 to index
      %swap3A_277 = arith.index_cast %scan3A_270 : i32 to index
      %swap3A_278 = arith.constant 0 : index
      %swap3A_279 = tpu.vector_load %arg7[%swap3A_276, %swap3A_277, %swap3A_278] {strides = array<i32>} : memref<2x128x64xf32, #tpu.memory_space<vmem>>, vector<1x1x16xf32>,
      %swap3A_280 = vector.shape_cast %swap3A_279 : vector<1x1x16xf32> to vector<16xf32>
      %swap3A_281 = vector.shape_cast %get3A_275 : vector<16xf32> to vector<1x1x16xf32>
      tpu.vector_store %arg7[%swap3A_276, %swap3A_277, %swap3A_278], %swap3A_281 {strides = array<i32>} : memref<2x128x64xf32, #tpu.memory_space<vmem>>, vector<1x1x16xf32>,
      %get3A_282 = arith.constant 1 : i32
      %get3A_283 = arith.index_cast %get3A_282 : i32 to index
      %get3A_284 = arith.index_cast %scan3A_270 : i32 to index
      %get3A_285 = arith.constant 16 : index
      %get3A_286 = tpu.vector_load %arg6[%get3A_283, %get3A_284, %get3A_285] {strides = array<i32>} : memref<2x128x128xf32, #tpu.memory_space<vmem>>, vector<1x1x16xf32>,
      %get3A_287 = vector.shape_cast %get3A_286 : vector<1x1x16xf32> to vector<16xf32>
      %swap3A_288 = arith.constant 1 : i32
      %swap3A_289 = arith.index_cast %swap3A_288 : i32 to index
      %swap3A_290 = arith.index_cast %scan3A_270 : i32 to index
      %swap3A_291 = arith.constant 16 : index
      %swap3A_292 = tpu.vector_load %arg7[%swap3A_289, %swap3A_290, %swap3A_291] {strides = array<i32>} : memref<2x128x64xf32, #tpu.memory_space<vmem>>, vector<1x1x16xf32>,
      %swap3A_293 = vector.shape_cast %swap3A_292 : vector<1x1x16xf32> to vector<16xf32>
      %swap3A_294 = vector.shape_cast %get3A_287 : vector<16xf32> to vector<1x1x16xf32>
      tpu.vector_store %arg7[%swap3A_289, %swap3A_290, %swap3A_291], %swap3A_294 {strides = array<i32>} : memref<2x128x64xf32, #tpu.memory_space<vmem>>, vector<1x1x16xf32>,
      %get3A_295 = arith.constant 1 : i32
      %get3A_296 = arith.index_cast %get3A_295 : i32 to index
      %get3A_297 = arith.index_cast %scan3A_270 : i32 to index
      %get3A_298 = arith.constant 32 : index
      %get3A_299 = tpu.vector_load %arg6[%get3A_296, %get3A_297, %get3A_298] {strides = array<i32>} : memref<2x128x128xf32, #tpu.memory_space<vmem>>, vector<1x1x16xf32>,
      %get3A_300 = vector.shape_cast %get3A_299 : vector<1x1x16xf32> to vector<16xf32>
      %swap3A_301 = arith.constant 1 : i32
      %swap3A_302 = arith.index_cast %swap3A_301 : i32 to index
      %swap3A_303 = arith.index_cast %scan3A_270 : i32 to index
      %swap3A_304 = arith.constant 32 : index
      %swap3A_305 = tpu.vector_load %arg7[%swap3A_302, %swap3A_303, %swap3A_304] {strides = array<i32>} : memref<2x128x64xf32, #tpu.memory_space<vmem>>, vector<1x1x16xf32>,
      %swap3A_306 = vector.shape_cast %swap3A_305 : vector<1x1x16xf32> to vector<16xf32>
      %swap3A_307 = vector.shape_cast %get3A_300 : vector<16xf32> to vector<1x1x16xf32>
      tpu.vector_store %arg7[%swap3A_302, %swap3A_303, %swap3A_304], %swap3A_307 {strides = array<i32>} : memref<2x128x64xf32, #tpu.memory_space<vmem>>, vector<1x1x16xf32>,
      %get3A_308 = arith.constant 1 : i32
      %get3A_309 = arith.index_cast %get3A_308 : i32 to index
      %get3A_310 = arith.index_cast %scan3A_270 : i32 to index
      %get3A_311 = arith.constant 48 : index
      %get3A_312 = tpu.vector_load %arg6[%get3A_309, %get3A_310, %get3A_311] {strides = array<i32>} : memref<2x128x128xf32, #tpu.memory_space<vmem>>, vector<1x1x16xf32>,
      %get3A_313 = vector.shape_cast %get3A_312 : vector<1x1x16xf32> to vector<16xf32>
      %swap3A_314 = arith.constant 1 : i32
      %swap3A_315 = arith.index_cast %swap3A_314 : i32 to index
      %swap3A_316 = arith.index_cast %scan3A_270 : i32 to index
      %swap3A_317 = arith.constant 48 : index
      %swap3A_318 = tpu.vector_load %arg7[%swap3A_315, %swap3A_316, %swap3A_317] {strides = array<i32>} : memref<2x128x64xf32, #tpu.memory_space<vmem>>, vector<1x1x16xf32>,
      %swap3A_319 = vector.shape_cast %swap3A_318 : vector<1x1x16xf32> to vector<16xf32>
      %swap3A_320 = vector.shape_cast %get3A_313 : vector<16xf32> to vector<1x1x16xf32>
      tpu.vector_store %arg7[%swap3A_315, %swap3A_316, %swap3A_317], %swap3A_320 {strides = array<i32>} : memref<2x128x64xf32, #tpu.memory_space<vmem>>, vector<1x1x16xf32>,
    }
    %scan3A_218 = arith.constant 128 : i32
    %add3A_219 = arith.constant 384 : i32
    %add3A_220 = arith.addi %mul3A_32, %add3A_219 : i32
    %dma_start3A_221 = arith.constant 1 : i32
    %dma_start3A_222 = arith.constant 0 : i32
    %dma_start3A_223 = arith.constant 0 : i32
    %dma_start3A_224 = tpu.memref_slice %arg7[%dma_start3A_221, %dma_start3A_222, %dma_start3A_223] : memref<2x128x64xf32, #tpu.memory_space<vmem>> -> memref<1x128x64xf32, #tpu.memory_space<vmem>>
    %dma_start3A_225 = tpu.memref_squeeze %dma_start3A_224 : memref<1x128x64xf32, #tpu.memory_space<vmem>> -> memref<128x64xf32, #tpu.memory_space<vmem>>
    %dma_start3A_226 = arith.constant 0 : i32
    %dma_start3A_227 = tpu.memref_slice %arg4[%select_n3A, %add3A_220, %dma_start3A_226] : memref<16x1024x64xf32, #tpu.memory_space<hbm>> -> memref<1x128x64xf32, #tpu.memory_space<hbm>>
    %dma_start3A_228 = tpu.memref_squeeze %dma_start3A_227 : memref<1x128x64xf32, #tpu.memory_space<hbm>> -> memref<128x64xf32, #tpu.memory_space<hbm>>
    %dma_start3A_229 = arith.constant 0 : i32
    %dma_start3A_230 = tpu.memref_slice %arg4[%select_n3A, %add3A_220, %dma_start3A_229] : memref<16x1024x64xf32, #tpu.memory_space<hbm>> -> memref<1x128x64xf32, #tpu.memory_space<hbm>>
    %dma_start3A_231 = tpu.memref_squeeze %dma_start3A_230 : memref<1x128x64xf32, #tpu.memory_space<hbm>> -> memref<128x64xf32, #tpu.memory_space<hbm>>
    %dma_start3A_232 = arith.constant 0 : i32
    %dma_start3A_233 = arith.constant 0 : i32
    %dma_start3A_234 = tpu.memref_slice %arg7[%dma_start3A_221, %dma_start3A_232, %dma_start3A_233] : memref<2x128x64xf32, #tpu.memory_space<vmem>> -> memref<1x128x64xf32, #tpu.memory_space<vmem>>
    %dma_start3A_235 = tpu.memref_squeeze %dma_start3A_234 : memref<1x128x64xf32, #tpu.memory_space<vmem>> -> memref<128x64xf32, #tpu.memory_space<vmem>>
    tpu.enqueue_dma source(%dma_start3A_235 : memref<128x64xf32, #tpu.memory_space<vmem>>) target(%dma_start3A_231 : memref<128x64xf32, #tpu.memory_space<hbm>>) target_semaphore(%arg11 : memref<!tpu.dma_semaphore, #tpu.memory_space<semaphore_mem>>)
    %add3A_236 = arith.constant 256 : i32
    %add3A_237 = arith.addi %mul3A_32, %add3A_236 : i32
    %dma_wait3A_238 = arith.constant 0 : i32
    %dma_wait3A_239 = arith.constant 0 : i32
    %dma_wait3A_240 = arith.constant 0 : i32
    %dma_wait3A_241 = tpu.memref_slice %arg7[%dma_wait3A_238, %dma_wait3A_239, %dma_wait3A_240] : memref<2x128x64xf32, #tpu.memory_space<vmem>> -> memref<1x128x64xf32, #tpu.memory_space<vmem>>
    %dma_wait3A_242 = tpu.memref_squeeze %dma_wait3A_241 : memref<1x128x64xf32, #tpu.memory_space<vmem>> -> memref<128x64xf32, #tpu.memory_space<vmem>>
    %dma_wait3A_243 = arith.constant 0 : i32
    %dma_wait3A_244 = tpu.memref_slice %arg4[%select_n3A, %add3A_237, %dma_wait3A_243] : memref<16x1024x64xf32, #tpu.memory_space<hbm>> -> memref<1x128x64xf32, #tpu.memory_space<hbm>>
    %dma_wait3A_245 = tpu.memref_squeeze %dma_wait3A_244 : memref<1x128x64xf32, #tpu.memory_space<hbm>> -> memref<128x64xf32, #tpu.memory_space<hbm>>
    %dma_wait3A_246 = arith.constant 0 : i32
    %dma_wait3A_247 = tpu.memref_slice %arg4[%select_n3A, %add3A_237, %dma_wait3A_246] : memref<16x1024x64xf32, #tpu.memory_space<hbm>> -> memref<1x128x64xf32, #tpu.memory_space<hbm>>
    %dma_wait3A_248 = tpu.memref_squeeze %dma_wait3A_247 : memref<1x128x64xf32, #tpu.memory_space<hbm>> -> memref<128x64xf32, #tpu.memory_space<hbm>>
    %dma_wait3A_249 = arith.constant 0 : i32
    %dma_wait3A_250 = arith.constant 0 : i32
    %dma_wait3A_251 = tpu.memref_slice %arg7[%dma_wait3A_238, %dma_wait3A_249, %dma_wait3A_250] : memref<2x128x64xf32, #tpu.memory_space<vmem>> -> memref<1x128x64xf32, #tpu.memory_space<vmem>>
    %dma_wait3A_252 = tpu.memref_squeeze %dma_wait3A_251 : memref<1x128x64xf32, #tpu.memory_space<vmem>> -> memref<128x64xf32, #tpu.memory_space<vmem>>
    tpu.wait_dma2 semaphore(%arg10 : memref<!tpu.dma_semaphore, #tpu.memory_space<semaphore_mem>>) src(%dma_wait3A_252 : memref<128x64xf32, #tpu.memory_space<vmem>>) dst(%dma_wait3A_248 : memref<128x64xf32, #tpu.memory_space<hbm>>)
    %add3A_253 = arith.constant 384 : i32
    %add3A_254 = arith.addi %mul3A_32, %add3A_253 : i32
    %dma_wait3A_255 = arith.constant 1 : i32
    %dma_wait3A_256 = arith.constant 0 : i32
    %dma_wait3A_257 = arith.constant 0 : i32
    %dma_wait3A_258 = tpu.memref_slice %arg7[%dma_wait3A_255, %dma_wait3A_256, %dma_wait3A_257] : memref<2x128x64xf32, #tpu.memory_space<vmem>> -> memref<1x128x64xf32, #tpu.memory_space<vmem>>
    %dma_wait3A_259 = tpu.memref_squeeze %dma_wait3A_258 : memref<1x128x64xf32, #tpu.memory_space<vmem>> -> memref<128x64xf32, #tpu.memory_space<vmem>>
    %dma_wait3A_260 = arith.constant 0 : i32
    %dma_wait3A_261 = tpu.memref_slice %arg4[%select_n3A, %add3A_254, %dma_wait3A_260] : memref<16x1024x64xf32, #tpu.memory_space<hbm>> -> memref<1x128x64xf32, #tpu.memory_space<hbm>>
    %dma_wait3A_262 = tpu.memref_squeeze %dma_wait3A_261 : memref<1x128x64xf32, #tpu.memory_space<hbm>> -> memref<128x64xf32, #tpu.memory_space<hbm>>
    %dma_wait3A_263 = arith.constant 0 : i32
    %dma_wait3A_264 = tpu.memref_slice %arg4[%select_n3A, %add3A_254, %dma_wait3A_263] : memref<16x1024x64xf32, #tpu.memory_space<hbm>> -> memref<1x128x64xf32, #tpu.memory_space<hbm>>
    %dma_wait3A_265 = tpu.memref_squeeze %dma_wait3A_264 : memref<1x128x64xf32, #tpu.memory_space<hbm>> -> memref<128x64xf32, #tpu.memory_space<hbm>>
    %dma_wait3A_266 = arith.constant 0 : i32
    %dma_wait3A_267 = arith.constant 0 : i32
    %dma_wait3A_268 = tpu.memref_slice %arg7[%dma_wait3A_255, %dma_wait3A_266, %dma_wait3A_267] : memref<2x128x64xf32, #tpu.memory_space<vmem>> -> memref<1x128x64xf32, #tpu.memory_space<vmem>>
    %dma_wait3A_269 = tpu.memref_squeeze %dma_wait3A_268 : memref<1x128x64xf32, #tpu.memory_space<vmem>> -> memref<128x64xf32, #tpu.memory_space<vmem>>
    tpu.wait_dma2 semaphore(%arg11 : memref<!tpu.dma_semaphore, #tpu.memory_space<semaphore_mem>>) src(%dma_wait3A_269 : memref<128x64xf32, #tpu.memory_space<vmem>>) dst(%dma_wait3A_265 : memref<128x64xf32, #tpu.memory_space<hbm>>)
    return
  }
}

</mosaic_0001>

<sc_bundles>
// kernel: kernel.3.cloned.1.call-start
scs
__scs_entry_jumppad:
0x0: {  	(pc) =	sbr.rel $0x88, $3  }
0x1: {  	(tag) =	ssettag $0x0;
	lr =	simm.s32 $0x1  }
0x2: {  	[smem:$0x3F9F] =	sst lr;
	_ =	strace $0xD0000000  }
0x3: {  	_ = 	snop  }
0x4: {  	_ = 	snop  }
0x5: {  	_ = 	snop  }
0x6: {  	_ = 	snop  }
0x7: {  	_ = 	snop  }
__scs_overlays_trampoline_lowered:
0x8: {  	[smem:$0x3FAE] =	sst s0  }
0x9: {  	[smem:$0x3FAF] =	sst s1  }
0xa: {  	[smem:$0x3FB0] =	sst s2  }
0xb: {  	[smem:$0x3FB1] =	sst s3  }
0xc: {  	[smem:$0x3FB2] =	sst s4  }
0xd: {  	[smem:$0x3FB3] =	sst s5  }
0xe: {  	[smem:$0x3FB4] =	sst s6  }
0xf: {  	[smem:$0x3FB5] =	sst s7  }
0x10: {  	[smem:$0x3FB6] =	sst s8  }
0x11: {  	[smem:$0x3FB7] =	sst s9;
	s0 =	simm.s32 @!p0 $0x0  }
0x12: {  	s1 =	sld [smem:$0x3F9D];
	s0 =	simm.s32 @p0 $0x1  }
0x13: {  	[smem:$0x3FB8] =	sst s0;
	s0 =	simm.s32 @!p1 $0x0  }
0x14: {  	s2 =	sld [smem:$0x3F9C];
	s0 =	simm.s32 @p1 $0x1  }
0x15: {  	[smem:$0x3FB9] =	sst s0;
	s0 =	simm.s32 @!p2 $0x0  }
0x16: {  	s3 =	sld [smem:$0x3FDB];
	s0 =	simm.s32 @p2 $0x1  }
0x17: {  	s4 =	simm.s32 $0x1BF5;
	[smem:$0x3FBB] =	sst s0  }
0x18: {  	s0 =	sld [smem:$0x3F9E];
	_ =	swait.ge [sflag:s4], $0x0  }
0x19: {  	s7 =	sld [smem:$0x3F9F]  }
0x1a: {  	s8 =	sadd.s32 $0xFFFFE003, lr  }
0x1b: {  	s9 =	sadd.s32 $0xFFFFFEF7, lr;
	s5 =	simm.s32 $0xFFFFFFFF;
	p2 =	slt.u32 s8, $0xFFFFF086  }
0x1c: {  	p1 =	slt.u32 s9, $0xF7A;
	s5 =	simm.s32 @!p2 $0x0  }
0x1d: {  	s5 =	simm.s32 @p1 $0x1;
	p0 =	seq.s32 s7, s2  }
0x1e: {  	s7 =	smul.u32 @!p0 $0xF7A, s2;
	p2 =	seq.s32 @!p0 s5, $0x0  }
0x1f: {  	s9 =	smul.u32 $0xF7A, s1;
	s8 =	simm.s32 @!p0 $0x1BF5;
	p2 =	por !p2, p0  }
0x20: {  	[sflag:s8] =	ssyncset.s32 @!p0 $0xFFFFF086;
	s6 =	sadd.s32 @!p0 s3, s7;
	s7 =	simm.s32 @!p0 $0x108  }
0x21: {  	s3 =	sadd.s32 s3, s9;
	s6 =	sadd.s32 @!p0 $0x88, s6;
	s7 =	simm.s32 @p2 $0x1082  }
0x22: {  	[simem:s7], [sflag:s8] =	dma.local @!p0 [hbm:s6], $0xF7A  }
0x23: {  	s9 =	sor.u32 $0xD0000000, s2;
	s6 =	simm.s32 $0x108;
	_ =	swait.ge @!p0 [sflag:s8], $0x0  }
0x24: {  	s3 =	sadd.s32 $0x88, s3;
	s6 =	simm.s32 @!p1 $0x1082;
	[sflag:s4] =	ssyncset.s32 $0xFFFFF086  }
0x25: {  	[simem:s6], [sflag:s4] =	dma.local [hbm:s3], $0xF7A  }
0x26: {  	[smem:$0x3F9F] =	sst s1;
	(tag) =	ssettag s2;
	_ =	strace s9  }
0x27: {  	s1 =	sld [smem:$0x3FAF]  }
0x28: {  	s2 =	sld [smem:$0x3FB0]  }
0x29: {  	s4 =	sld [smem:$0x3FB2]  }
0x2a: {  	p0 =	seq.s32 s5, $0x0;
	s5 =	sld [smem:$0x3FB3]  }
0x2b: {  	s6 =	sld [smem:$0x3FB4]  }
0x2c: {  	s7 =	sld [smem:$0x3FB5]  }
0x2d: {  	s3 =	simm.s32 $0x108;
	s8 =	sld [smem:$0x3FB6]  }
0x2e: {  	s3 =	simm.s32 @!p0 $0x1082;
	s9 =	sld [smem:$0x3FB7]  }
0x2f: {  	lr =	sadd.s32 s0, s3;
	s0 =	sld [smem:$0x3FAE]  }
0x30: {  	s3 =	sld [smem:$0x3FB1]  }
0x31: {  	[smem:$0x3FBA] =	sst s10  }
0x32: {  	s10 =	sld [smem:$0x3FB8];
	_ =	sdelay $0x3  }
0x33: {  	p0 =	seq.s32 s10, $0x1;
	s10 =	sld [smem:$0x3FBA];
	_ =	sdelay $0x3  }
0x34: {  	[smem:$0x3FBA] =	sst s10  }
0x35: {  	s10 =	sld [smem:$0x3FB9];
	_ =	sdelay $0x3  }
0x36: {  	p1 =	seq.s32 s10, $0x1;
	s10 =	sld [smem:$0x3FBA];
	_ =	sdelay $0x3  }
0x37: {  	[smem:$0x3FBA] =	sst s10  }
0x38: {  	s10 =	sld [smem:$0x3FBB]  }
0x39: {  	_ = 	snop;
	(pc) =	sbr.ind lr, $3  }
0x3a: {  	_ = 	snop  }
0x3b: {  	_ = 	snop  }
0x3c: {  	p2 =	seq.s32 s10, $0x1;
	s10 =	sld [smem:$0x3FBA]  }
0x3d: {  	_ =	shalt  }
0x3e: {  	_ =	shalt  }
0x3f: {  	_ =	shalt  }
0x40: {  	_ =	shalt  }
0x41: {  	_ =	shalt  }
0x42: {  	_ =	shalt  }
0x43: {  	_ =	shalt  }
0x44: {  	_ =	shalt  }
0x45: {  	_ =	shalt  }
0x46: {  	_ =	shalt  }
0x47: {  	_ =	shalt  }
0x48: {  	_ =	shalt  }
0x49: {  	_ =	shalt  }
0x4a: {  	_ =	shalt  }
0x4b: {  	_ =	shalt  }
0x4c: {  	_ =	shalt  }
0x4d: {  	_ =	shalt  }
0x4e: {  	_ =	shalt  }
0x4f: {  	_ =	shalt  }
0x50: {  	_ =	shalt  }
0x51: {  	_ =	shalt  }
0x52: {  	_ =	shalt  }
0x53: {  	_ =	shalt  }
0x54: {  	_ =	shalt  }
0x55: {  	_ =	shalt  }
0x56: {  	_ =	shalt  }
0x57: {  	_ =	shalt  }
0x58: {  	_ =	shalt  }
0x59: {  	_ =	shalt  }
0x5a: {  	_ =	shalt  }
0x5b: {  	_ =	shalt  }
0x5c: {  	_ =	shalt  }
0x5d: {  	_ =	shalt  }
0x5e: {  	_ =	shalt  }
0x5f: {  	_ =	shalt  }
0x60: {  	_ =	shalt  }
0x61: {  	_ =	shalt  }
0x62: {  	_ =	shalt  }
0x63: {  	_ =	shalt  }
0x64: {  	_ =	shalt  }
0x65: {  	_ =	shalt  }
0x66: {  	_ =	shalt  }
0x67: {  	_ =	shalt  }
0x68: {  	_ =	shalt  }
0x69: {  	_ =	shalt  }
0x6a: {  	_ =	shalt  }
0x6b: {  	_ =	shalt  }
0x6c: {  	_ =	shalt  }
0x6d: {  	_ =	shalt  }
0x6e: {  	_ =	shalt  }
0x6f: {  	_ =	shalt  }
0x70: {  	_ =	shalt  }
0x71: {  	_ =	shalt  }
0x72: {  	_ =	shalt  }
0x73: {  	_ =	shalt  }
0x74: {  	_ =	shalt  }
0x75: {  	_ =	shalt  }
0x76: {  	_ =	shalt  }
0x77: {  	_ =	shalt  }
0x78: {  	_ =	shalt  }
0x79: {  	_ =	shalt  }
0x7a: {  	_ =	shalt  }
0x7b: {  	_ =	shalt  }
0x7c: {  	_ =	shalt  }
0x7d: {  	_ =	shalt  }
0x7e: {  	_ =	shalt  }
0x7f: {  	_ =	shalt  }
0x80: {  	_ =	shalt  }
0x81: {  	_ =	shalt  }
0x82: {  	_ =	shalt  }
0x83: {  	_ =	shalt  }
0x84: {  	_ =	shalt  }
0x85: {  	_ =	shalt  }
0x86: {  	_ =	shalt  }
0x87: {  	_ =	shalt  }
.Lfunc_end0:
.L_simem_size_0:
called_computation_lowered:
.L_overlay_start_0:
0x88: {  	s2 =	sld [smem:$0x3FD9]  }
0x89: {  	s3 =	sld [smem:$0x3FFE];
	_ =	sdelay $0x1  }
0x8a: {  	s1 =	srdreg.scid  }
0x8b: {  	s0 =	sand.u32 $0x1, s1  }
0x8c: {  	s17 =	sshll.u32 s0, $0xA;
	s2 =	sadd.s32 s3, s2  }
0x8d: {  	s2 =	sadd.s32 s2, s17  }
0x8e: {  	[smem:$0x3FC6] =	sst s2  }
0x8f: {  	_ = 	snop  }
0x90: {  	s2 =	sld [smem:$0x3FC9]  }
0x91: {  	s18 =	sld [smem:$0x3FD0];
	(tm) =	ssettm $0x1  }
0x92: {  	s4 =	sld [smem:$0x3FFB];
	_ =	sdelay $0x3  }
0x93: {  	_ =	strace s4  }
0x94: {  	s4 =	sld [smem:$0x3FFC];
	_ =	sdelay $0x3  }
0x95: {  	_ =	strace s4  }
0x96: {  	s4 =	sld [smem:$0x3FFD];
	_ =	sdelay $0x3  }
0x97: {  	_ =	strace s4  }
0x98: {  	_ =	strace $0x8FFFFFFF  }
0x99: {  	s19 =	sld [smem:$0x3FDB];
	_ =	sdelay $0x1  }
0x9a: {  	s5 =	simm.s32 $_scs_section_size  }
0x9b: {  	s6 =	simm.s32 $_size__tile_overlayer_lowered;
	s7 =	simm.s32 $_tile_overlayer_lowered  }
0x9c: {  	s22 =	simm.s32 $0x1BFF;
	s21 =	sshll.u32 s7, $0x1;
	s4 =	sadd.s32 s5, s19  }
0x9d: {  	s8 =	simm.s32 $0x0;
	s20 =	sshll.u32 s6, $0x1;
	s6 =	sadd.s32 s21, s4  }
0x9e: {  	[timem:s8], [sflag:s22] =	dma.local [hbm:s6], s20  }
0x9f: {  	_ =	swait.ge [sflag:s22], s20  }
0xa0: {  	s5 =	ssub.s32 $0x0, s20;
	[sflag:s22] =	ssyncset.done $0x0  }
0xa1: {  	[sflag:s22] =	ssyncadd.s32 s5;
	_ =	sdelay $0x1  }
0xa2: {  	s23 =	simm.s32 $0x1B8B  }
0xa3: {  	_ =	swait.ge [sflag:s23], $0x1  }
0xa4: {  	[sflag:s23] =	ssyncset.done $0x0  }
0xa5: {  	s25 =	simm.s32 $0x1B8E;
	s24 =	sld [smem:$0x3FFE];
	[sflag:s23] =	ssyncadd.s32 $0xFFFFFFFF  }
0xa6: {  	s26 =	simm.s32 $execute0_lowered;
	[smem:$0x3FD2] =	sst s25  }
0xa7: {  	s6 =	sshll.u32 s26, $0x1;
	_ =	strace $0x80000046;
	[dreg:$0x1] =	wrdreg $0xFFFFFFFF  }
0xa8: {  	s28 =	simm.s32 $_size_execute0_lowered;
	s4 =	sadd.s32 s4, s6;
	[dreg:$0x0] =	wrdreg $0x0  }
0xa9: {  	s6 =	sshll.u32 s28, $0x1;
	[dreg:$0x2] =	wrdreg s4  }
0xaa: {  	[dreg:$0x3] =	wrdreg s6  }
0xab: {  	[dreg:$0x4] =	wrdreg $0xC0  }
0xac: {  	_ =	task [dreg:s8], $0x5FFFF  }
0xad: {  	[dreg:$0x1] =	wrdreg $0xFFFFFFFF  }
0xae: {  	[dreg:$0x0] =	wrdreg $0x60  }
0xaf: {  	[dreg:$0x2] =	wrdreg s18  }
0xb0: {  	[dreg:$0x3] =	wrdreg s2  }
0xb1: {  	[dreg:$0x4] =	wrdreg s24  }
0xb2: {  	[dreg:$0x5] =	wrdreg $0x9  }
0xb3: {  	_ =	task.clear_ibuf [dreg:s8], $0x6FFFF;
	_ =	strace $0x90000046  }
0xb4: {  	s29 =	simm.s32 $0x9;
	_ =	strace $0x80000048  }
0xb5: {  	_ =	swait.ge [sflag:s29], $0x1  }
0xb6: {  	[sflag:s29] =	ssyncadd.s32 $0xFFFFFFFF  }
0xb7: {  	_ =	strace $0x90000048  }
0xb8: {  	_ =	sfence  }
0xb9: {  	s30 =	sld [smem:$0x0];
	_ =	sdelay $0x2  }
0xba: {  	s31 =	sshll.u32 s1, $0xD;
	s1 =	sshrl.u32 s1, $0x2  }
0xbb: {  	s3 =	sand.u32 $0x4000, s31;
	s1 =	sadd.s32 s1, s30  }
0xbc: {  	s0 =	sor.u32 s3, s0;
	s1 =	sshll.u32 s1, $0x11  }
0xbd: {  	s0 =	sor.u32 s1, s0  }
0xbe: {  	s0 =	sadd.s32 $0x8F2B, s0  }
0xbf: {  	[sflag:s0] =	ssyncadd.remote.s32 $0x1  }
0xc0: {  	_ =	sfence.sel $0xFFFF  }
0xc1: {  	[dreg:$0x0] =	wrdreg $0xFFFFFFFF;
	(pc) =	sbr.abs _section_cstart, $3  }
0xc2: {  	[dreg:$0x1] =	wrdreg $0xFFFFFFFF  }
0xc3: {  	_ =	task.clear_ibuf [dreg:s8], $0x2FFFF;
	_ =	strace $0x9FFFFFFF  }
0xc4: {  	(tm) =	ssettm $0x7FFFFFFF  }
0xc5: {  	_ =	shalt  }
tec
execute0_lowered:
.L_overlay_start_1:
0x0: {  	(tag) =	ssettag $0x1  }
0x1: {  	s1 =	rddreg [dreg:$0x0]  }
0x2: {  	s2 =	srdreg.scid;
	s6 =	rddreg [dreg:$0x1]  }
0x3: {  	s0 =	stileid.u32;
	s7 =	rddreg [dreg:$0x2];
	s3 =	simm.s32 $0x0  }
0x4: {  	s4 =	simm.s32 $0x1;
	s13 =	simm.s32 $0x5;
	s14 =	simm.s32 $0x200  }
0x5: {  	s15 =	simm.s32 $0x4200;
	s16 =	simm.s32 $0x8200;
	s17 =	simm.s32 $0x100  }
0x6: {  	s18 =	simm.s32 $0x2;
	s19 =	simm.s32 $0xC200;
	s5 =	sand.u32 $0x1, s2  }
0x7: {  	s20 =	simm.s32 $0x180;
	s21 =	simm.s32 $0x3;
	s2 =	sor.u32 s5, s0  }
0x8: {  	s22 =	simm.s32 $0x4;
	p1 =	seq.s32 s5, $0x1;
	p0 =	seq.s32 s2, $0x0  }
0x9: {  	s23 =	simm.s32 $0x0;
	[smem:$0x7FF] =	sst s3;
	p0 =	por !p0, !p1  }
0xa: {  	s11 =	sshll.u32 s5, $0xC;
	s12 =	sshll.u32 s5, $0x10;
	p0 =	por !p0, !p0  }
0xb: {  	s5 =	ssub.s32 $0x2, s5;
	s2 =	rddreg [dreg:$0x3];
	s4 =	simm.s32 @!p0 $0x0  }
0xc: {  	_ =	strace $0x80000047;
	s31 =	sshrl.u32 s5, $0x1;
	s8 =	ssub.s32 s0, s4  }
0xd: {  	s9 =	sshll.u32 s8, $0x11;
	s10 =	sshll.u32 s8, $0xA;
	s8 =	sshll.u32 s8, $0x7  }
0xe: {  	s4 =	simm.s32 $0x1;
	s10 =	sand.u32 $0xFFFFE000, s10;
	s8 =	sand.u32 $0x380, s8  }
0xf: {  	s9 =	sor.u32 s12, s9;
	s12 =	simm.s32 $0x400;
	s10 =	sor.u32 s11, s10  }
0x10: {  	s9 =	sshrl.u32 s9, $0x3;
	s11 =	simm.s32 $0x80;
	s8 =	sor.u32 s8, s10  }
0x11: {  	s9 =	sadd.s32 s9, s7;
	s10 =	ssub.s32 s5, s31;
	s8 =	sshrl.u32 s8, $0x3  }
0x12: {  	s7 =	sadd.s32 $0xC00, s9;
	s10 =	smax.u32 s10, $0x1;
	s5 =	sadd.s32 s6, s8  }
0x13: {  	s6 =	sadd.s32 $0x400, s9;
	s8 =	sadd.s32 $0x1400, s9;
	s9 =	sadd.s32 $0x1C00, s9  }
.LBB2_1:
0x14: {  	[tilespmem:s3], [sflag:$0x5] =	stream.strided.gather [hbm4b:s5+s11], $0x200, s12, s11, $0x38;
	[tilespmem:$0x10200] =	vst v63  }
0x15: {  	_ =	swait.ge [sflag:s13], $0x200  }
0x16: {  	[sflag:s13] =	ssyncset.done $0x0  }
0x17: {  	[sflag:s13] =	ssyncadd.s32 $0xFFFFFE00  }
0x18: {  	[tilespmem:s14], [sflag:$0x1] =	stream.indirect.gather [hbm4b:s1+s11], $0x80, s3, s11, $0xb8;
	[tilespmem:$0x10200] =	vst v63  }
0x19: {  	_ = 	snop  }
0x1a: {  	[tilespmem:s15], [sflag:$0x2] =	stream.indirect.gather [hbm4b:s1+s11], $0x80, s11, s11, $0xb8;
	[tilespmem:$0x10200] =	vst v63  }
0x1b: {  	_ =	swait.ge [sflag:s4], $0x4000  }
0x1c: {  	[sflag:s4] =	ssyncset.done $0x0  }
0x1d: {  	s24 =	simm.s32 $0x0;
	[sflag:s4] =	ssyncadd.s32 $0xFFFFC000  }
0x1e: {  	v0 =	vld [tilespmem:s24+$0x230]  }
0x1f: {  	v1 =	vld [tilespmem:s24+$0x200]  }
0x20: {  	v2 =	vld [tilespmem:s24+$0x210]  }
0x21: {  	s25 =	simm.s32 $0x200;
	v3 =	vld [tilespmem:s24+$0x220]  }
.LBB2_2:
0x22: {  	p0 =	sne.s32 s25, $0xFE00  }
.Ltmp0:
0x23: {  	s26 =	sshra.s32 s25, $0x2;
	s25 =	sadd.s32 $0x200, s25;
	[tilespmem:s24+$0x8230] =	vst v0;
	(pc) =	sbr.rel @p0 .LBB2_2-.Ltmp0, $4  }
0x24: {  	v0 =	vld [tilespmem:s26+$0x230];
	[tilespmem:s24+$0x8200] =	vst v1  }
0x25: {  	v1 =	vld [tilespmem:s26+$0x200];
	[tilespmem:s24+$0x8210] =	vst v2  }
0x26: {  	v2 =	vld [tilespmem:s26+$0x210];
	[tilespmem:s24+$0x8220] =	vst v3;
	s24 =	smov.u32 s26  }
0x27: {  	v3 =	vld [tilespmem:s24+$0x220]  }
0x28: {  	_ = 	snop  }
0x29: {  	[tilespmem:s24+$0x8230] =	vst v0  }
0x2a: {  	[tilespmem:s24+$0x8200] =	vst v1  }
0x2b: {  	[tilespmem:s24+$0x8210] =	vst v2  }
0x2c: {  	s31 =	simm.s32 $0x0;
	[tilespmem:s24+$0x8220] =	vst v3  }
0x2d: {  	[hbm4b:s6+s31] =	stream.linear.scatter [tilespmem:s16], [sflag:$0x3], $0x4000, $0x38;
	[tilespmem:$0x10200] =	vst v63  }
0x2e: {  	_ = 	snop  }
0x2f: {  	[tilespmem:s14], [sflag:$0x1] =	stream.indirect.gather [hbm4b:s1+s11], $0x80, s17, s11, $0xb8;
	[tilespmem:$0x10200] =	vst v63  }
0x30: {  	_ =	swait.ge [sflag:s18], $0x4000  }
0x31: {  	[sflag:s18] =	ssyncset.done $0x0  }
0x32: {  	s24 =	simm.s32 $0x0;
	[sflag:s18] =	ssyncadd.s32 $0xFFFFC000  }
0x33: {  	v0 =	vld [tilespmem:s24+$0x4230]  }
0x34: {  	v1 =	vld [tilespmem:s24+$0x4200]  }
0x35: {  	v2 =	vld [tilespmem:s24+$0x4210]  }
0x36: {  	s25 =	simm.s32 $0x200;
	v3 =	vld [tilespmem:s24+$0x4220]  }
.LBB2_4:
0x37: {  	p0 =	sne.s32 s25, $0xFE00  }
.Ltmp1:
0x38: {  	s26 =	sshra.s32 s25, $0x2;
	s25 =	sadd.s32 $0x200, s25;
	[tilespmem:s24+$0xC230] =	vst v0;
	(pc) =	sbr.rel @p0 .LBB2_4-.Ltmp1, $4  }
0x39: {  	v0 =	vld [tilespmem:s26+$0x4230];
	[tilespmem:s24+$0xC200] =	vst v1  }
0x3a: {  	v1 =	vld [tilespmem:s26+$0x4200];
	[tilespmem:s24+$0xC210] =	vst v2  }
0x3b: {  	v2 =	vld [tilespmem:s26+$0x4210];
	[tilespmem:s24+$0xC220] =	vst v3;
	s24 =	smov.u32 s26  }
0x3c: {  	v3 =	vld [tilespmem:s24+$0x4220]  }
0x3d: {  	_ = 	snop  }
0x3e: {  	[tilespmem:s24+$0xC230] =	vst v0  }
0x3f: {  	[tilespmem:s24+$0xC200] =	vst v1  }
0x40: {  	[tilespmem:s24+$0xC210] =	vst v2  }
0x41: {  	s31 =	simm.s32 $0x0;
	[tilespmem:s24+$0xC220] =	vst v3  }
0x42: {  	[hbm4b:s7+s31] =	stream.linear.scatter [tilespmem:s19], [sflag:$0x4], $0x4000, $0x38;
	[tilespmem:$0x10200] =	vst v63  }
0x43: {  	_ = 	snop  }
0x44: {  	[tilespmem:s15], [sflag:$0x2] =	stream.indirect.gather [hbm4b:s1+s11], $0x80, s20, s11, $0xb8;
	[tilespmem:$0x10200] =	vst v63  }
0x45: {  	_ =	swait.ge [sflag:s4], $0x4000  }
0x46: {  	[sflag:s4] =	ssyncset.done $0x0  }
0x47: {  	[sflag:s4] =	ssyncadd.s32 $0xFFFFC000  }
0x48: {  	_ =	swait.ge [sflag:s21], $0x4000  }
0x49: {  	[sflag:s21] =	ssyncset.done $0x0  }
0x4a: {  	s24 =	simm.s32 $0x0;
	[sflag:s21] =	ssyncadd.s32 $0xFFFFC000  }
0x4b: {  	v0 =	vld [tilespmem:s24+$0x230]  }
0x4c: {  	v1 =	vld [tilespmem:s24+$0x200]  }
0x4d: {  	v2 =	vld [tilespmem:s24+$0x210]  }
0x4e: {  	s25 =	simm.s32 $0x200;
	v3 =	vld [tilespmem:s24+$0x220]  }
.LBB2_6:
0x4f: {  	p0 =	sne.s32 s25, $0xFE00  }
.Ltmp2:
0x50: {  	s26 =	sshra.s32 s25, $0x2;
	s25 =	sadd.s32 $0x200, s25;
	[tilespmem:s24+$0x8230] =	vst v0;
	(pc) =	sbr.rel @p0 .LBB2_6-.Ltmp2, $4  }
0x51: {  	v0 =	vld [tilespmem:s26+$0x230];
	[tilespmem:s24+$0x8200] =	vst v1  }
0x52: {  	v1 =	vld [tilespmem:s26+$0x200];
	[tilespmem:s24+$0x8210] =	vst v2  }
0x53: {  	v2 =	vld [tilespmem:s26+$0x210];
	[tilespmem:s24+$0x8220] =	vst v3;
	s24 =	smov.u32 s26  }
0x54: {  	v3 =	vld [tilespmem:s24+$0x220]  }
0x55: {  	_ = 	snop  }
0x56: {  	[tilespmem:s24+$0x8230] =	vst v0  }
0x57: {  	[tilespmem:s24+$0x8200] =	vst v1  }
0x58: {  	[tilespmem:s24+$0x8210] =	vst v2  }
0x59: {  	s31 =	simm.s32 $0x0;
	[tilespmem:s24+$0x8220] =	vst v3  }
0x5a: {  	[hbm4b:s8+s31] =	stream.linear.scatter [tilespmem:s16], [sflag:$0x3], $0x4000, $0x38;
	[tilespmem:$0x10200] =	vst v63  }
0x5b: {  	_ =	swait.ge [sflag:s18], $0x4000  }
0x5c: {  	[sflag:s18] =	ssyncset.done $0x0  }
0x5d: {  	[sflag:s18] =	ssyncadd.s32 $0xFFFFC000  }
0x5e: {  	_ =	swait.ge [sflag:s22], $0x4000  }
0x5f: {  	[sflag:s22] =	ssyncset.done $0x0  }
0x60: {  	s24 =	simm.s32 $0x0;
	[sflag:s22] =	ssyncadd.s32 $0xFFFFC000  }
0x61: {  	v0 =	vld [tilespmem:s24+$0x4230]  }
0x62: {  	v1 =	vld [tilespmem:s24+$0x4200]  }
0x63: {  	v2 =	vld [tilespmem:s24+$0x4210]  }
0x64: {  	s25 =	simm.s32 $0x200;
	v3 =	vld [tilespmem:s24+$0x4220]  }
.LBB2_8:
0x65: {  	p0 =	sne.s32 s25, $0xFE00  }
.Ltmp3:
0x66: {  	s26 =	sshra.s32 s25, $0x2;
	s25 =	sadd.s32 $0x200, s25;
	[tilespmem:s24+$0xC230] =	vst v0;
	(pc) =	sbr.rel @p0 .LBB2_8-.Ltmp3, $4  }
0x67: {  	v0 =	vld [tilespmem:s26+$0x4230];
	[tilespmem:s24+$0xC200] =	vst v1  }
0x68: {  	v1 =	vld [tilespmem:s26+$0x4200];
	[tilespmem:s24+$0xC210] =	vst v2  }
0x69: {  	v2 =	vld [tilespmem:s26+$0x4210];
	[tilespmem:s24+$0xC220] =	vst v3;
	s24 =	smov.u32 s26  }
0x6a: {  	v3 =	vld [tilespmem:s24+$0x4220]  }
0x6b: {  	_ = 	snop  }
0x6c: {  	[tilespmem:s24+$0xC230] =	vst v0  }
0x6d: {  	[tilespmem:s24+$0xC200] =	vst v1  }
0x6e: {  	[tilespmem:s24+$0xC210] =	vst v2  }
0x6f: {  	s23 =	sadd.s32 $0x1, s23;
	[tilespmem:s24+$0xC220] =	vst v3  }
0x70: {  	[hbm4b:s9+s3] =	stream.linear.scatter [tilespmem:s19], [sflag:$0x4], $0x4000, $0x38;
	[tilespmem:$0x10200] =	vst v63  }
0x71: {  	p0 =	sne.s32 s23, s10;
	_ =	swait.ge [sflag:s21], $0x4000  }
.Ltmp4:
0x72: {  	[sflag:s21] =	ssyncset.done $0x0;
	(pc) =	sbr.rel @p0 .LBB2_1-.Ltmp4, $4  }
0x73: {  	[sflag:s21] =	ssyncadd.s32 $0xFFFFC000  }
0x74: {  	_ =	swait.ge [sflag:s22], $0x4000  }
0x75: {  	[sflag:s22] =	ssyncset.done $0x0  }
0x76: {  	[sflag:s22] =	ssyncadd.s32 $0xFFFFC000  }
0x77: {  	_ =	sfence.sel $0x180000  }
0x78: {  	[bflag:$0x0] =	sbarrier.arrive $0xFFFF  }
0x79: {  	p0 =	sne.s32 s0, $0x0;
	_ =	strace $0x90000047  }
0x7a: {  	s0 =	sadd.s32 @!p0 $0x100000, s2;
	[bflag:$0x2] =	sbarrier.arrive $0xFFFF  }
0x7b: {  	[sflag:s0] =	ssyncadd.tile.s32 @!p0 $0x1;
	_ =	shalt  }
.Lfunc_end2:
_tile_overlayer_lowered:
.L_overlay_start_2:
0x7c: {  	(tag) =	ssettag $0x2  }
0x7d: {  	s0 =	rddreg [dreg:$0x0];
	s2 =	stileid.u32  }
0x7e: {  	s1 =	rddreg [dreg:$0x1];
	p0 =	sne.s32 s2, $0x0  }
0x7f: {  	s3 =	rddreg [dreg:$0x2];
	[bflag:$0x3] =	sbarrier.arrive $0xFFFF;
	s2 =	simm.s32 @!p0 $0x1C05  }
0x80: {  	[timem:s3], [sflag:s2] =	dma.local @!p0 [hbm:s0], s1  }
0x81: {  	s0 =	simm.s32 @!p0 $0x5  }
0x82: {  	_ =	swait.ge @!p0 [sflag:s0], s1  }
0x83: {  	s1 =	ssub.s32 @!p0 $0x0, s1;
	[sflag:s0] =	ssyncset.done @!p0 $0x0  }
0x84: {  	[sflag:s0] =	ssyncadd.s32 @!p0 s1  }
0x85: {  	[bflag:$0x3] =	sbarrier.arrive $0xFFFF  }
0x86: {  	_ =	shalt  }

</sc_bundles>
